<compile_context>
chip_gen: v7x
topology: tpu7x:2x2x1
jax: 0.10.2.dev20260603
libtpu: 0.0.44.dev20260713+nightly
codegen_flags: <defaults>
</compile_context>

<pallas_src>
import jax
import jax.numpy as jnp
from jax import lax
from jax.experimental import pallas as pl
from jax.experimental.pallas import tpu as pltpu
from jax.experimental.pallas import tpu_sc as plsc

N = 10000
E = 160000
B = 16
HIDDEN = 128
DESC = 128
C = HIDDEN + DESC
NUM_TOOLS = 513

NT = 16
EP = E // NT
NCH = 79
EPP = NCH * 128
SEG = N // B
SEGP = 640
NR = B * SEGP
SRC_PAD = SEG
DST_PAD = 0



def _sc_message_kernel(ids_hbm, src_hbm, dst_hbm, et_hbm, ds_hbm, zeros_hbm,
                       elo_hbm, ml_hbm, mh_hbm,
                       ids_v, src_v, dst_v, st0, st1, st2, st3,
                       acc, sm0, sm1, sm2, sm3):
    c = lax.axis_index("c")
    s = lax.axis_index("s")
    sts = (st0, st1, st2, st3)
    sms = (sm0, sm1, sm2, sm3)
    own = pl.ds(s * SEGP, SEGP)

    pltpu.sync_copy(src_hbm.at[s], src_v)
    pltpu.sync_copy(dst_hbm.at[s], dst_v)
    pltpu.sync_copy(zeros_hbm, acc.at[own])

    @pl.when(c == 0)
    def _sc0_prep():
        pltpu.sync_copy(ids_hbm.at[s], ids_v)

        def n_issue(j, m):
            pltpu.async_copy(et_hbm.at[ids_v.at[j]], sts[m], sms[m])

        def n_drain(j, m):
            pltpu.make_async_copy(et_hbm.at[ids_v.at[j]], sts[m], sms[m]).wait()
            pltpu.sync_copy(sts[m], elo_hbm.at[pl.ds(s * SEGP + j * 128, 128)])

        for j in range(3):
            n_issue(j, j)
        for j in range(5):
            if j + 3 < 5:
                n_issue(j + 3, (j + 3) % 4)
            n_drain(j, j % 4)

        pltpu.sync_copy(zeros_hbm.at[pl.ds(0, SEGP - SEG)],
                        elo_hbm.at[pl.ds(s * SEGP + SEG, SEGP - SEG)])

    plsc.subcore_barrier()

    def edge_pass(table):
        def issue(k, m):
            pltpu.async_copy(table.at[src_v.at[k]], sts[m], sms[m])

        def drain_scatter(k, m):
            pltpu.make_async_copy(table.at[src_v.at[k]], sts[m], sms[m]).wait()
            pltpu.sync_copy(sts[m], acc.at[dst_v.at[k]], add=True)

        issue(0, 0)
        issue(1, 1)
        issue(2, 2)

        def body(j, _):
            a = j * 4
            for m in range(4):
                issue(a + m + 3, (m + 3) % 4)
                drain_scatter(a + m, m)
            return 0
        lax.fori_loop(0, (NCH - 3) // 4, body, 0)

        drain_scatter(NCH - 3, 0)
        drain_scatter(NCH - 2, 1)
        drain_scatter(NCH - 1, 2)

    @pl.when(c == 0)
    def _():
        edge_pass(elo_hbm)

    @pl.when(c == 1)
    def _():
        edge_pass(ds_hbm)

    plsc.subcore_barrier()

    @pl.when(c == 0)
    def _():
        pltpu.sync_copy(acc.at[own], ml_hbm.at[own])

    @pl.when(c == 1)
    def _():
        pltpu.sync_copy(acc.at[own], mh_hbm.at[own])


def _sc_messages(ids_blk, src_p, dst_p, et_bf, ds_bf, zeros640):
    mesh = plsc.VectorSubcoreMesh(core_axis_name="c", subcore_axis_name="s")
    out_bf = jax.ShapeDtypeStruct((NR, HIDDEN), jnp.bfloat16)
    f = pl.kernel(
        _sc_message_kernel,
        out_type=(out_bf, out_bf, out_bf),
        mesh=mesh,
        scratch_types=[
            pltpu.VMEM((5, 128), jnp.int32),
            pltpu.VMEM((NCH, 128), jnp.int32),
            pltpu.VMEM((NCH, 128), jnp.int32),
            pltpu.VMEM((128, HIDDEN), jnp.bfloat16),
            pltpu.VMEM((128, HIDDEN), jnp.bfloat16),
            pltpu.VMEM((128, HIDDEN), jnp.bfloat16),
            pltpu.VMEM((128, HIDDEN), jnp.bfloat16),
            pltpu.VMEM_SHARED((NR, HIDDEN), jnp.bfloat16),
            pltpu.SemaphoreType.DMA,
            pltpu.SemaphoreType.DMA,
            pltpu.SemaphoreType.DMA,
            pltpu.SemaphoreType.DMA,
        ],
        compiler_params=pltpu.CompilerParams(use_tc_tiling_on_sc=False),
    )
    return f(ids_blk, src_p, dst_p, et_bf, ds_bf, zeros640)



def _tc_body(ml, mh, elo, ds,
             wihT, whhT, w1T, w2T, b2r, wqT, bqr,
             wtT, wcT, etT, out_ref, wcat):
    g = pl.program_id(0)

    @pl.when(g < B // 4)
    def _graph():
        ml2 = jnp.concatenate([ml[0], ml[1], ml[2], ml[3]], axis=0)
        mh2 = jnp.concatenate([mh[0], mh[1], mh[2], mh[3]], axis=0)
        elo2 = jnp.concatenate([elo[0], elo[1], elo[2], elo[3]], axis=0)
        ds2 = jnp.concatenate([ds[0], ds[1], ds[2], ds[3]], axis=0)
        msg = jnp.concatenate([ml2, mh2], axis=1)
        emb_bf = jnp.concatenate([elo2, ds2], axis=1)
        emb = emb_bf.astype(jnp.float32)
        gi = jnp.dot(msg, wihT[...], preferred_element_type=jnp.float32)
        gh = jnp.dot(emb_bf, whhT[...], preferred_element_type=jnp.float32)
        r = jax.nn.sigmoid(gi[:, :C] + gh[:, :C])
        z = jax.nn.sigmoid(gi[:, C:2 * C] + gh[:, C:2 * C])
        n = jnp.tanh(gi[:, 2 * C:] + r * gh[:, 2 * C:])
        h = (1.0 - z) * n + z * emb
        w_l = jnp.concatenate(
            [h[t * SEGP + SEG - 1:t * SEGP + SEG, :] for t in range(4)])
        q1 = jnp.dot(w_l, w1T[...], preferred_element_type=jnp.float32)
        q1f = jnp.concatenate(
            [jnp.broadcast_to(q1[t:t + 1, :], (SEGP, C)) for t in range(4)])
        q2 = jnp.dot(h, w2T[...], preferred_element_type=jnp.float32) + b2r[...]
        sig = jax.nn.sigmoid(q1f + q2)
        alpha = jnp.dot(sig, wqT[...], preferred_element_type=jnp.float32) + bqr[...]
        a = alpha * h
        w_g = jnp.concatenate(
            [jnp.sum(a[t * SEGP:(t + 1) * SEGP], axis=0, keepdims=True)
             for t in range(4)])
        for t in range(4):
            wcat[pl.ds(4 * g + t, 1), :C] = w_l[t:t + 1]
            wcat[pl.ds(4 * g + t, 1), C:] = w_g[t:t + 1]

    @pl.when(g == B // 4)
    def _final():
        wc = wcat[...]
        w1 = jnp.dot(wc, wtT[...], preferred_element_type=jnp.float32)
        w2 = jnp.dot(w1, wcT[...], preferred_element_type=jnp.float32)
        out_ref[...] = jnp.dot(w2, etT[...], preferred_element_type=jnp.float32)


def _tc_stage(ml, mh, elo, ds, wihT, whhT, w1T, w2T, b2r, wqT, bqr, wtT, wcT, etT):
    full = lambda shape: pl.BlockSpec(shape, lambda g: (0,) * len(shape))
    seg = pl.BlockSpec((4, SEGP, HIDDEN), lambda g: (jnp.minimum(g, B // 4 - 1), 0, 0))
    return pl.pallas_call(
        _tc_body,
        grid=(B // 4 + 1,),
        in_specs=[seg] * 4 + [
            full((C, 3 * C)),
            full((C, 3 * C)),
            full((C, C)),
            full((C, C)),
            full((1, C)),
            full((C, C)),
            full((1, C)),
            full((2 * C, C)),
            full((C, HIDDEN)),
            full((HIDDEN, NUM_TOOLS)),
        ],
        out_specs=pl.BlockSpec((B, NUM_TOOLS), lambda g: (0, 0)),
        out_shape=jax.ShapeDtypeStruct((B, NUM_TOOLS), jnp.float32),
        scratch_shapes=[pltpu.VMEM((B, 2 * C), jnp.float32)],
    )(ml, mh, elo, ds, wihT, whhT, w1T, w2T, b2r, wqT, bqr, wtT, wcT, etT)



def kernel(x, edge_index, batch, emb_table, w_ih, w_hh, W1, W2, b2, Wq, bq, Wt, Wc):
    ids = x[:, 0].astype(jnp.int32)
    ids_blk = jnp.pad(ids.reshape(NT, SEG),
                      ((0, 0), (0, SEGP - SEG))).reshape(NT, 5, 128)
    desc = x[:, 1:]

    src = edge_index[0]
    dst = edge_index[1]
    src_m = (src + 15 * (src // SEG)).reshape(NT, EP)
    dst_m = (dst + 15 * (dst // SEG)).reshape(NT, EP)
    src_p = jnp.pad(src_m, ((0, 0), (0, EPP - EP)),
                    constant_values=SRC_PAD).reshape(NT, NCH, 128)
    dst_p = jnp.pad(dst_m, ((0, 0), (0, EPP - EP)),
                    constant_values=DST_PAD).reshape(NT, NCH, 128)
    zeros640 = jnp.zeros((SEGP, HIDDEN), jnp.bfloat16)

    ds3 = jnp.pad(desc.reshape(B, SEG, DESC),
                  ((0, 0), (0, SEGP - SEG), (0, 0))).astype(jnp.bfloat16)
    ds_bf = ds3.reshape(NR, DESC)

    elo, ml, mh = _sc_messages(
        ids_blk, src_p, dst_p, emb_table.astype(jnp.bfloat16), ds_bf, zeros640)

    as3 = lambda a: a.reshape(B, SEGP, HIDDEN)
    bf = jnp.bfloat16
    logits = _tc_stage(
        as3(ml), as3(mh), as3(elo), ds3,
        w_ih.T.astype(bf), w_hh.T.astype(bf), W1.T, W2.T, b2.reshape(1, C),
        Wq.T, bq.reshape(1, C), Wt.T, Wc.T, emb_table.T,
    )
    return logits

# --- scband reference (transcript-rebuilt; emitter-appended) ---
"""Pipeline reference for scband-gated-gnn-11038065951436 (READ-ONLY COPY).

The authoritative reference and input builder live on the scoring server;
editing this copy changes nothing except your own understanding.
"""

import jax, jax.numpy as jnp
import numpy as np

N = 10000
E = 160000
B = 16
HIDDEN = 128
DESC = 128
C = HIDDEN + DESC
NUM_TOOLS = 513  # 512 tools + 1 because model_type == 'graph'


def setup_inputs(seed: int = 0):
    key = jax.random.key(seed)
    ks = jax.random.split(key, 16)
    ids = jax.random.randint(ks[0], (N,), 0, NUM_TOOLS).astype(jnp.float32)
    desc = jax.random.normal(ks[1], (N, DESC), dtype=jnp.float32)
    x = jnp.concatenate([ids[:, None], desc], axis=1)
    edge_index = jax.random.randint(ks[2], (2, E), 0, N, dtype=jnp.int32)
    batch = (jnp.arange(N) * B // N).astype(jnp.int32)
    s = 1.0 / np.sqrt(C)
    emb_table = jax.random.normal(ks[3], (NUM_TOOLS, HIDDEN), dtype=jnp.float32) * 0.02
    w_ih = jax.random.uniform(ks[4], (3 * C, C), minval=-s, maxval=s, dtype=jnp.float32)
    w_hh = jax.random.uniform(ks[5], (3 * C, C), minval=-s, maxval=s, dtype=jnp.float32)
    W1 = jax.random.uniform(ks[6], (C, C), minval=-s, maxval=s, dtype=jnp.float32)
    W2 = jax.random.uniform(ks[7], (C, C), minval=-s, maxval=s, dtype=jnp.float32)
    b2 = jax.random.uniform(ks[8], (C,), minval=-s, maxval=s, dtype=jnp.float32)
    Wq = jax.random.uniform(ks[9], (C, C), minval=-s, maxval=s, dtype=jnp.float32)
    bq = jax.random.uniform(ks[10], (C,), minval=-s, maxval=s, dtype=jnp.float32)
    Wt = jax.random.uniform(ks[11], (C, 2 * C), minval=-s / np.sqrt(2.0), maxval=s / np.sqrt(2.0), dtype=jnp.float32)
    Wc = jax.random.uniform(ks[12], (HIDDEN, C), minval=-s, maxval=s, dtype=jnp.float32)
    return {"x": x, "edge_index": edge_index, "batch": batch, "emb_table": emb_table,
            "w_ih": w_ih, "w_hh": w_hh, "W1": W1, "W2": W2, "b2": b2,
            "Wq": Wq, "bq": bq, "Wt": Wt, "Wc": Wc}


def reference(x, edge_index, batch, emb_table, w_ih, w_hh, W1, W2, b2, Wq, bq, Wt, Wc):
    # get_embedding (eval mode: dropout is identity)
    ids = x[:, 0].astype(jnp.int32)
    emb = jnp.take(emb_table, ids, axis=0)
    emb = jnp.concatenate([emb, x[:, 1:]], axis=1)  # [N, C]
    # GatedGraphConv: message = scatter-add of x_j (source feats) at dst
    src = edge_index[0]
    dst = edge_index[1]
    msg = jax.ops.segment_sum(jnp.take(emb, src, axis=0), dst, num_segments=N)
    # GRUCell(input=msg, hidden=emb), bias=False; gate order (r, z, n)
    gi = msg @ w_ih.T
    gh = emb @ w_hh.T
    i_r, i_z, i_n = gi[:, :C], gi[:, C:2 * C], gi[:, 2 * C:]
    h_r, h_z, h_n = gh[:, :C], gh[:, C:2 * C], gh[:, 2 * C:]
    r = jax.nn.sigmoid(i_r + h_r)
    z = jax.nn.sigmoid(i_z + h_z)
    n = jnp.tanh(i_n + r * h_n)
    h = (1.0 - z) * n + z * emb  # [N, C]
    # get_workflow_reps
    counts = jnp.bincount(batch, length=B)
    last_idx = jnp.cumsum(counts) - 1
    w_l = jnp.take(h, last_idx, axis=0)  # [B, C]
    w_g_r = jnp.take(w_l, batch, axis=0)  # [N, C] last-node rep broadcast per node
    q1 = w_g_r @ W1.T
    q2 = h @ W2.T + b2
    alpha = jax.nn.sigmoid(q1 + q2) @ Wq.T + bq
    a = alpha * h
    w_g = jax.ops.segment_sum(a, batch, num_segments=B)  # [B, C]
    w = jnp.concatenate([w_l, w_g], axis=1) @ Wt.T  # [B, C]
    w = w @ Wc.T  # [B, HIDDEN]
    logits = w @ emb_table.T  # [B, NUM_TOOLS]
    return logits

if __name__ == "__main__":
    import jax
    _d = setup_inputs()
    print(jax.jit(kernel)(*tuple(_d.values())))

</pallas_src>

<mosaic_0001>
#map = affine_map<(d0, d1) -> (0, 0, 0)>
#map1 = affine_map<(d0, d1) -> (0, 0)>
module attributes {stable_mosaic.version = 14 : i64} {
  func.func @_sc_message_kernel(%arg0: i32, %arg1: i32, %arg2: memref<16x5x128xi32, #tpu.memory_space<hbm>>, %arg3: memref<16x79x128xi32, #tpu.memory_space<hbm>>, %arg4: memref<16x79x128xi32, #tpu.memory_space<hbm>>, %arg5: memref<513x128xbf16, #tpu.memory_space<hbm>>, %arg6: memref<10240x128xbf16, #tpu.memory_space<hbm>>, %arg7: memref<640x128xbf16, #tpu.memory_space<hbm>>, %arg8: memref<10240x128xbf16, #tpu.memory_space<hbm>>, %arg9: memref<10240x128xbf16, #tpu.memory_space<hbm>>, %arg10: memref<10240x128xbf16, #tpu.memory_space<hbm>>, %arg11: memref<5x128xi32, #tpu.memory_space<vmem>>, %arg12: memref<79x128xi32, #tpu.memory_space<vmem>>, %arg13: memref<79x128xi32, #tpu.memory_space<vmem>>, %arg14: memref<128x128xbf16, #tpu.memory_space<vmem>>, %arg15: memref<128x128xbf16, #tpu.memory_space<vmem>>, %arg16: memref<128x128xbf16, #tpu.memory_space<vmem>>, %arg17: memref<128x128xbf16, #tpu.memory_space<vmem>>, %arg18: memref<10240x128xbf16, #tpu.memory_space<vmem_shared>>, %arg19: memref<!tpu.dma_semaphore, #tpu.memory_space<semaphore_mem>>, %arg20: memref<!tpu.dma_semaphore, #tpu.memory_space<semaphore_mem>>, %arg21: memref<!tpu.dma_semaphore, #tpu.memory_space<semaphore_mem>>, %arg22: memref<!tpu.dma_semaphore, #tpu.memory_space<semaphore_mem>>) attributes {dimension_semantics = [#tpu.dimension_semantics<core_parallel>, #tpu.dimension_semantics<subcore_parallel>], iteration_bounds = array<i64: 2, 16>, scalar_prefetch = 0 : i64, scratch_operands = 12 : i64, tpu.core_type = #tpu.core_type<sc_vector_subcore>, window_params = [{transform_indices = #map}, {transform_indices = #map}, {transform_indices = #map}, {transform_indices = #map1}, {transform_indices = #map1}, {transform_indices = #map1}, {transform_indices = #map1}, {transform_indices = #map1}, {transform_indices = #map1}]} {
    %mul3A = arith.constant 640 : i32
    %mul3A_0 = arith.muli %arg1, %mul3A : i32
    "tpu.region"() ({
      %run_scoped3A = tpu.sem_alloc : memref<!tpu.dma_semaphore, #tpu.memory_space<semaphore_mem>>
      %dma_start3A = arith.constant 0 : i32
      %dma_start3A_24 = arith.constant 0 : i32
      %dma_start3A_25 = tpu.memref_slice %arg3[%arg1, %dma_start3A, %dma_start3A_24] : memref<16x79x128xi32, #tpu.memory_space<hbm>> -> memref<1x79x128xi32, #tpu.memory_space<hbm>>
      %dma_start3A_26 = tpu.memref_squeeze %dma_start3A_25 : memref<1x79x128xi32, #tpu.memory_space<hbm>> -> memref<79x128xi32, #tpu.memory_space<hbm>>
      %dma_start3A_27 = arith.constant 0 : i32
      %dma_start3A_28 = arith.constant 0 : i32
      %dma_start3A_29 = tpu.memref_slice %arg3[%arg1, %dma_start3A_27, %dma_start3A_28] : memref<16x79x128xi32, #tpu.memory_space<hbm>> -> memref<1x79x128xi32, #tpu.memory_space<hbm>>
      %dma_start3A_30 = tpu.memref_squeeze %dma_start3A_29 : memref<1x79x128xi32, #tpu.memory_space<hbm>> -> memref<79x128xi32, #tpu.memory_space<hbm>>
      tpu.enqueue_dma source(%dma_start3A_30 : memref<79x128xi32, #tpu.memory_space<hbm>>) target(%arg12 : memref<79x128xi32, #tpu.memory_space<vmem>>) target_semaphore(%run_scoped3A : memref<!tpu.dma_semaphore, #tpu.memory_space<semaphore_mem>>)
      %dma_wait3A = arith.constant 0 : i32
      %dma_wait3A_31 = arith.constant 0 : i32
      %dma_wait3A_32 = tpu.memref_slice %arg3[%arg1, %dma_wait3A, %dma_wait3A_31] : memref<16x79x128xi32, #tpu.memory_space<hbm>> -> memref<1x79x128xi32, #tpu.memory_space<hbm>>
      %dma_wait3A_33 = tpu.memref_squeeze %dma_wait3A_32 : memref<1x79x128xi32, #tpu.memory_space<hbm>> -> memref<79x128xi32, #tpu.memory_space<hbm>>
      %dma_wait3A_34 = arith.constant 0 : i32
      %dma_wait3A_35 = arith.constant 0 : i32
      %dma_wait3A_36 = tpu.memref_slice %arg3[%arg1, %dma_wait3A_34, %dma_wait3A_35] : memref<16x79x128xi32, #tpu.memory_space<hbm>> -> memref<1x79x128xi32, #tpu.memory_space<hbm>>
      %dma_wait3A_37 = tpu.memref_squeeze %dma_wait3A_36 : memref<1x79x128xi32, #tpu.memory_space<hbm>> -> memref<79x128xi32, #tpu.memory_space<hbm>>
      tpu.wait_dma2 semaphore(%run_scoped3A : memref<!tpu.dma_semaphore, #tpu.memory_space<semaphore_mem>>) src(%dma_wait3A_37 : memref<79x128xi32, #tpu.memory_space<hbm>>) dst(%arg12 : memref<79x128xi32, #tpu.memory_space<vmem>>)
      tpu.yield
    }) : () -> ()
    "tpu.region"() ({
      %run_scoped3A = tpu.sem_alloc : memref<!tpu.dma_semaphore, #tpu.memory_space<semaphore_mem>>
      %dma_start3A = arith.constant 0 : i32
      %dma_start3A_24 = arith.constant 0 : i32
      %dma_start3A_25 = tpu.memref_slice %arg4[%arg1, %dma_start3A, %dma_start3A_24] : memref<16x79x128xi32, #tpu.memory_space<hbm>> -> memref<1x79x128xi32, #tpu.memory_space<hbm>>
      %dma_start3A_26 = tpu.memref_squeeze %dma_start3A_25 : memref<1x79x128xi32, #tpu.memory_space<hbm>> -> memref<79x128xi32, #tpu.memory_space<hbm>>
      %dma_start3A_27 = arith.constant 0 : i32
      %dma_start3A_28 = arith.constant 0 : i32
      %dma_start3A_29 = tpu.memref_slice %arg4[%arg1, %dma_start3A_27, %dma_start3A_28] : memref<16x79x128xi32, #tpu.memory_space<hbm>> -> memref<1x79x128xi32, #tpu.memory_space<hbm>>
      %dma_start3A_30 = tpu.memref_squeeze %dma_start3A_29 : memref<1x79x128xi32, #tpu.memory_space<hbm>> -> memref<79x128xi32, #tpu.memory_space<hbm>>
      tpu.enqueue_dma source(%dma_start3A_30 : memref<79x128xi32, #tpu.memory_space<hbm>>) target(%arg13 : memref<79x128xi32, #tpu.memory_space<vmem>>) target_semaphore(%run_scoped3A : memref<!tpu.dma_semaphore, #tpu.memory_space<semaphore_mem>>)
      %dma_wait3A = arith.constant 0 : i32
      %dma_wait3A_31 = arith.constant 0 : i32
      %dma_wait3A_32 = tpu.memref_slice %arg4[%arg1, %dma_wait3A, %dma_wait3A_31] : memref<16x79x128xi32, #tpu.memory_space<hbm>> -> memref<1x79x128xi32, #tpu.memory_space<hbm>>
      %dma_wait3A_33 = tpu.memref_squeeze %dma_wait3A_32 : memref<1x79x128xi32, #tpu.memory_space<hbm>> -> memref<79x128xi32, #tpu.memory_space<hbm>>
      %dma_wait3A_34 = arith.constant 0 : i32
      %dma_wait3A_35 = arith.constant 0 : i32
      %dma_wait3A_36 = tpu.memref_slice %arg4[%arg1, %dma_wait3A_34, %dma_wait3A_35] : memref<16x79x128xi32, #tpu.memory_space<hbm>> -> memref<1x79x128xi32, #tpu.memory_space<hbm>>
      %dma_wait3A_37 = tpu.memref_squeeze %dma_wait3A_36 : memref<1x79x128xi32, #tpu.memory_space<hbm>> -> memref<79x128xi32, #tpu.memory_space<hbm>>
      tpu.wait_dma2 semaphore(%run_scoped3A : memref<!tpu.dma_semaphore, #tpu.memory_space<semaphore_mem>>) src(%dma_wait3A_37 : memref<79x128xi32, #tpu.memory_space<hbm>>) dst(%arg13 : memref<79x128xi32, #tpu.memory_space<vmem>>)
      tpu.yield
    }) : () -> ()
    "tpu.region"() ({
      %run_scoped3A = tpu.sem_alloc : memref<!tpu.dma_semaphore, #tpu.memory_space<semaphore_mem>>
      %dma_start3A = arith.constant 0 : i32
      %dma_start3A_24 = tpu.memref_slice %arg18[%mul3A_0, %dma_start3A] : memref<10240x128xbf16, #tpu.memory_space<vmem_shared>> -> memref<640x128xbf16, #tpu.memory_space<vmem_shared>>
      tpu.enqueue_dma source(%arg7 : memref<640x128xbf16, #tpu.memory_space<hbm>>) target(%dma_start3A_24 : memref<640x128xbf16, #tpu.memory_space<vmem_shared>>) target_semaphore(%run_scoped3A : memref<!tpu.dma_semaphore, #tpu.memory_space<semaphore_mem>>)
      %dma_wait3A = arith.constant 0 : i32
      %dma_wait3A_25 = tpu.memref_slice %arg18[%mul3A_0, %dma_wait3A] : memref<10240x128xbf16, #tpu.memory_space<vmem_shared>> -> memref<640x128xbf16, #tpu.memory_space<vmem_shared>>
      tpu.wait_dma2 semaphore(%run_scoped3A : memref<!tpu.dma_semaphore, #tpu.memory_space<semaphore_mem>>) src(%arg7 : memref<640x128xbf16, #tpu.memory_space<hbm>>) dst(%dma_wait3A_25 : memref<640x128xbf16, #tpu.memory_space<vmem_shared>>)
      tpu.yield
    }) : () -> ()
    %eq3A = arith.constant 0 : i32
    %eq3A_1 = arith.cmpi eq, %arg0, %eq3A : i32
    %convert_element_type3A = arith.extui %eq3A_1 : i1 to i32
    %cond3A = arith.constant 0 : i32
    %cond3A_2 = arith.cmpi ne, %convert_element_type3A, %cond3A : i32
    scf.if %cond3A_2 {
      "tpu.region"() ({
        %run_scoped3A = tpu.sem_alloc : memref<!tpu.dma_semaphore, #tpu.memory_space<semaphore_mem>>
        %dma_start3A_115 = arith.constant 0 : i32
        %dma_start3A_116 = arith.constant 0 : i32
        %dma_start3A_117 = tpu.memref_slice %arg2[%arg1, %dma_start3A_115, %dma_start3A_116] : memref<16x5x128xi32, #tpu.memory_space<hbm>> -> memref<1x5x128xi32, #tpu.memory_space<hbm>>
        %dma_start3A_118 = tpu.memref_squeeze %dma_start3A_117 : memref<1x5x128xi32, #tpu.memory_space<hbm>> -> memref<5x128xi32, #tpu.memory_space<hbm>>
        %dma_start3A_119 = arith.constant 0 : i32
        %dma_start3A_120 = arith.constant 0 : i32
        %dma_start3A_121 = tpu.memref_slice %arg2[%arg1, %dma_start3A_119, %dma_start3A_120] : memref<16x5x128xi32, #tpu.memory_space<hbm>> -> memref<1x5x128xi32, #tpu.memory_space<hbm>>
        %dma_start3A_122 = tpu.memref_squeeze %dma_start3A_121 : memref<1x5x128xi32, #tpu.memory_space<hbm>> -> memref<5x128xi32, #tpu.memory_space<hbm>>
        tpu.enqueue_dma source(%dma_start3A_122 : memref<5x128xi32, #tpu.memory_space<hbm>>) target(%arg11 : memref<5x128xi32, #tpu.memory_space<vmem>>) target_semaphore(%run_scoped3A : memref<!tpu.dma_semaphore, #tpu.memory_space<semaphore_mem>>)
        %dma_wait3A_123 = arith.constant 0 : i32
        %dma_wait3A_124 = arith.constant 0 : i32
        %dma_wait3A_125 = tpu.memref_slice %arg2[%arg1, %dma_wait3A_123, %dma_wait3A_124] : memref<16x5x128xi32, #tpu.memory_space<hbm>> -> memref<1x5x128xi32, #tpu.memory_space<hbm>>
        %dma_wait3A_126 = tpu.memref_squeeze %dma_wait3A_125 : memref<1x5x128xi32, #tpu.memory_space<hbm>> -> memref<5x128xi32, #tpu.memory_space<hbm>>
        %dma_wait3A_127 = arith.constant 0 : i32
        %dma_wait3A_128 = arith.constant 0 : i32
        %dma_wait3A_129 = tpu.memref_slice %arg2[%arg1, %dma_wait3A_127, %dma_wait3A_128] : memref<16x5x128xi32, #tpu.memory_space<hbm>> -> memref<1x5x128xi32, #tpu.memory_space<hbm>>
        %dma_wait3A_130 = tpu.memref_squeeze %dma_wait3A_129 : memref<1x5x128xi32, #tpu.memory_space<hbm>> -> memref<5x128xi32, #tpu.memory_space<hbm>>
        tpu.wait_dma2 semaphore(%run_scoped3A : memref<!tpu.dma_semaphore, #tpu.memory_space<semaphore_mem>>) src(%dma_wait3A_130 : memref<5x128xi32, #tpu.memory_space<hbm>>) dst(%arg11 : memref<5x128xi32, #tpu.memory_space<vmem>>)
        tpu.yield
      }) : () -> ()
      %dma_start3A = arith.constant 0 : i32
      %dma_start3A_24 = arith.constant 0 : i32
      %dma_start3A_25 = tpu.memref_slice %arg11[%dma_start3A, %dma_start3A_24] : memref<5x128xi32, #tpu.memory_space<vmem>> -> memref<1x128xi32, #tpu.memory_space<vmem>>
      %dma_start3A_26 = tpu.memref_squeeze %dma_start3A_25 : memref<1x128xi32, #tpu.memory_space<vmem>> -> memref<128xi32, #tpu.memory_space<vmem>>
      %dma_start3A_27 = arith.constant 0 : i32
      %dma_start3A_28 = arith.constant 0 : i32
      %dma_start3A_29 = tpu.memref_slice %arg5[%dma_start3A_27, %dma_start3A_28] : memref<513x128xbf16, #tpu.memory_space<hbm>> -> memref<513x128xbf16, #tpu.memory_space<hbm>>
      tpu.enqueue_indirect_dma source(%dma_start3A_29 : memref<513x128xbf16, #tpu.memory_space<hbm>>) target(%arg14 : memref<128x128xbf16, #tpu.memory_space<vmem>>) offsets(%dma_start3A_26 : memref<128xi32, #tpu.memory_space<vmem>>) semaphore(%arg19 : memref<!tpu.dma_semaphore, #tpu.memory_space<semaphore_mem>>)
      %dma_start3A_30 = arith.constant 1 : i32
      %dma_start3A_31 = arith.constant 0 : i32
      %dma_start3A_32 = tpu.memref_slice %arg11[%dma_start3A_30, %dma_start3A_31] : memref<5x128xi32, #tpu.memory_space<vmem>> -> memref<1x128xi32, #tpu.memory_space<vmem>>
      %dma_start3A_33 = tpu.memref_squeeze %dma_start3A_32 : memref<1x128xi32, #tpu.memory_space<vmem>> -> memref<128xi32, #tpu.memory_space<vmem>>
      %dma_start3A_34 = arith.constant 0 : i32
      %dma_start3A_35 = arith.constant 0 : i32
      %dma_start3A_36 = tpu.memref_slice %arg5[%dma_start3A_34, %dma_start3A_35] : memref<513x128xbf16, #tpu.memory_space<hbm>> -> memref<513x128xbf16, #tpu.memory_space<hbm>>
      tpu.enqueue_indirect_dma source(%dma_start3A_36 : memref<513x128xbf16, #tpu.memory_space<hbm>>) target(%arg15 : memref<128x128xbf16, #tpu.memory_space<vmem>>) offsets(%dma_start3A_33 : memref<128xi32, #tpu.memory_space<vmem>>) semaphore(%arg20 : memref<!tpu.dma_semaphore, #tpu.memory_space<semaphore_mem>>)
      %dma_start3A_37 = arith.constant 2 : i32
      %dma_start3A_38 = arith.constant 0 : i32
      %dma_start3A_39 = tpu.memref_slice %arg11[%dma_start3A_37, %dma_start3A_38] : memref<5x128xi32, #tpu.memory_space<vmem>> -> memref<1x128xi32, #tpu.memory_space<vmem>>
      %dma_start3A_40 = tpu.memref_squeeze %dma_start3A_39 : memref<1x128xi32, #tpu.memory_space<vmem>> -> memref<128xi32, #tpu.memory_space<vmem>>
      %dma_start3A_41 = arith.constant 0 : i32
      %dma_start3A_42 = arith.constant 0 : i32
      %dma_start3A_43 = tpu.memref_slice %arg5[%dma_start3A_41, %dma_start3A_42] : memref<513x128xbf16, #tpu.memory_space<hbm>> -> memref<513x128xbf16, #tpu.memory_space<hbm>>
      tpu.enqueue_indirect_dma source(%dma_start3A_43 : memref<513x128xbf16, #tpu.memory_space<hbm>>) target(%arg16 : memref<128x128xbf16, #tpu.memory_space<vmem>>) offsets(%dma_start3A_40 : memref<128xi32, #tpu.memory_space<vmem>>) semaphore(%arg21 : memref<!tpu.dma_semaphore, #tpu.memory_space<semaphore_mem>>)
      %dma_start3A_44 = arith.constant 3 : i32
      %dma_start3A_45 = arith.constant 0 : i32
      %dma_start3A_46 = tpu.memref_slice %arg11[%dma_start3A_44, %dma_start3A_45] : memref<5x128xi32, #tpu.memory_space<vmem>> -> memref<1x128xi32, #tpu.memory_space<vmem>>
      %dma_start3A_47 = tpu.memref_squeeze %dma_start3A_46 : memref<1x128xi32, #tpu.memory_space<vmem>> -> memref<128xi32, #tpu.memory_space<vmem>>
      %dma_start3A_48 = arith.constant 0 : i32
      %dma_start3A_49 = arith.constant 0 : i32
      %dma_start3A_50 = tpu.memref_slice %arg5[%dma_start3A_48, %dma_start3A_49] : memref<513x128xbf16, #tpu.memory_space<hbm>> -> memref<513x128xbf16, #tpu.memory_space<hbm>>
      tpu.enqueue_indirect_dma source(%dma_start3A_50 : memref<513x128xbf16, #tpu.memory_space<hbm>>) target(%arg17 : memref<128x128xbf16, #tpu.memory_space<vmem>>) offsets(%dma_start3A_47 : memref<128xi32, #tpu.memory_space<vmem>>) semaphore(%arg22 : memref<!tpu.dma_semaphore, #tpu.memory_space<semaphore_mem>>)
      %dma_wait3A = arith.constant 0 : i32
      %dma_wait3A_51 = arith.constant 0 : i32
      %dma_wait3A_52 = tpu.memref_slice %arg11[%dma_wait3A, %dma_wait3A_51] : memref<5x128xi32, #tpu.memory_space<vmem>> -> memref<1x128xi32, #tpu.memory_space<vmem>>
      %dma_wait3A_53 = tpu.memref_squeeze %dma_wait3A_52 : memref<1x128xi32, #tpu.memory_space<vmem>> -> memref<128xi32, #tpu.memory_space<vmem>>
      %dma_wait3A_54 = arith.constant 0 : i32
      %dma_wait3A_55 = arith.constant 0 : i32
      %dma_wait3A_56 = tpu.memref_slice %arg5[%dma_wait3A_54, %dma_wait3A_55] : memref<513x128xbf16, #tpu.memory_space<hbm>> -> memref<513x128xbf16, #tpu.memory_space<hbm>>
      tpu.wait_indirect_dma semaphore(%arg19 : memref<!tpu.dma_semaphore, #tpu.memory_space<semaphore_mem>>) src(%dma_wait3A_56 : memref<513x128xbf16, #tpu.memory_space<hbm>>) dst(%arg14 : memref<128x128xbf16, #tpu.memory_space<vmem>>)
      %mul3A_57 = arith.constant 640 : i32
      %mul3A_58 = arith.muli %arg1, %mul3A_57 : i32
      %add3A = arith.constant 0 : i32
      %add3A_59 = arith.addi %mul3A_58, %add3A : i32
      "tpu.region"() ({
        %run_scoped3A = tpu.sem_alloc : memref<!tpu.dma_semaphore, #tpu.memory_space<semaphore_mem>>
        %dma_start3A_115 = arith.constant 0 : i32
        %dma_start3A_116 = tpu.memref_slice %arg8[%add3A_59, %dma_start3A_115] : memref<10240x128xbf16, #tpu.memory_space<hbm>> -> memref<128x128xbf16, #tpu.memory_space<hbm>>
        %dma_start3A_117 = arith.constant 0 : i32
        %dma_start3A_118 = tpu.memref_slice %arg8[%add3A_59, %dma_start3A_117] : memref<10240x128xbf16, #tpu.memory_space<hbm>> -> memref<128x128xbf16, #tpu.memory_space<hbm>>
        tpu.enqueue_dma source(%arg14 : memref<128x128xbf16, #tpu.memory_space<vmem>>) target(%dma_start3A_118 : memref<128x128xbf16, #tpu.memory_space<hbm>>) target_semaphore(%run_scoped3A : memref<!tpu.dma_semaphore, #tpu.memory_space<semaphore_mem>>)
        %dma_wait3A_119 = arith.constant 0 : i32
        %dma_wait3A_120 = tpu.memref_slice %arg8[%add3A_59, %dma_wait3A_119] : memref<10240x128xbf16, #tpu.memory_space<hbm>> -> memref<128x128xbf16, #tpu.memory_space<hbm>>
        %dma_wait3A_121 = arith.constant 0 : i32
        %dma_wait3A_122 = tpu.memref_slice %arg8[%add3A_59, %dma_wait3A_121] : memref<10240x128xbf16, #tpu.memory_space<hbm>> -> memref<128x128xbf16, #tpu.memory_space<hbm>>
        tpu.wait_dma2 semaphore(%run_scoped3A : memref<!tpu.dma_semaphore, #tpu.memory_space<semaphore_mem>>) src(%arg14 : memref<128x128xbf16, #tpu.memory_space<vmem>>) dst(%dma_wait3A_122 : memref<128x128xbf16, #tpu.memory_space<hbm>>)
        tpu.yield
      }) : () -> ()
      %dma_start3A_60 = arith.constant 4 : i32
      %dma_start3A_61 = arith.constant 0 : i32
      %dma_start3A_62 = tpu.memref_slice %arg11[%dma_start3A_60, %dma_start3A_61] : memref<5x128xi32, #tpu.memory_space<vmem>> -> memref<1x128xi32, #tpu.memory_space<vmem>>
      %dma_start3A_63 = tpu.memref_squeeze %dma_start3A_62 : memref<1x128xi32, #tpu.memory_space<vmem>> -> memref<128xi32, #tpu.memory_space<vmem>>
      %dma_start3A_64 = arith.constant 0 : i32
      %dma_start3A_65 = arith.constant 0 : i32
      %dma_start3A_66 = tpu.memref_slice %arg5[%dma_start3A_64, %dma_start3A_65] : memref<513x128xbf16, #tpu.memory_space<hbm>> -> memref<513x128xbf16, #tpu.memory_space<hbm>>
      tpu.enqueue_indirect_dma source(%dma_start3A_66 : memref<513x128xbf16, #tpu.memory_space<hbm>>) target(%arg14 : memref<128x128xbf16, #tpu.memory_space<vmem>>) offsets(%dma_start3A_63 : memref<128xi32, #tpu.memory_space<vmem>>) semaphore(%arg19 : memref<!tpu.dma_semaphore, #tpu.memory_space<semaphore_mem>>)
      %dma_wait3A_67 = arith.constant 1 : i32
      %dma_wait3A_68 = arith.constant 0 : i32
      %dma_wait3A_69 = tpu.memref_slice %arg11[%dma_wait3A_67, %dma_wait3A_68] : memref<5x128xi32, #tpu.memory_space<vmem>> -> memref<1x128xi32, #tpu.memory_space<vmem>>
      %dma_wait3A_70 = tpu.memref_squeeze %dma_wait3A_69 : memref<1x128xi32, #tpu.memory_space<vmem>> -> memref<128xi32, #tpu.memory_space<vmem>>
      %dma_wait3A_71 = arith.constant 0 : i32
      %dma_wait3A_72 = arith.constant 0 : i32
      %dma_wait3A_73 = tpu.memref_slice %arg5[%dma_wait3A_71, %dma_wait3A_72] : memref<513x128xbf16, #tpu.memory_space<hbm>> -> memref<513x128xbf16, #tpu.memory_space<hbm>>
      tpu.wait_indirect_dma semaphore(%arg20 : memref<!tpu.dma_semaphore, #tpu.memory_space<semaphore_mem>>) src(%dma_wait3A_73 : memref<513x128xbf16, #tpu.memory_space<hbm>>) dst(%arg15 : memref<128x128xbf16, #tpu.memory_space<vmem>>)
      %mul3A_74 = arith.constant 640 : i32
      %mul3A_75 = arith.muli %arg1, %mul3A_74 : i32
      %add3A_76 = arith.constant 128 : i32
      %add3A_77 = arith.addi %mul3A_75, %add3A_76 : i32
      "tpu.region"() ({
        %run_scoped3A = tpu.sem_alloc : memref<!tpu.dma_semaphore, #tpu.memory_space<semaphore_mem>>
        %dma_start3A_115 = arith.constant 0 : i32
        %dma_start3A_116 = tpu.memref_slice %arg8[%add3A_77, %dma_start3A_115] : memref<10240x128xbf16, #tpu.memory_space<hbm>> -> memref<128x128xbf16, #tpu.memory_space<hbm>>
        %dma_start3A_117 = arith.constant 0 : i32
        %dma_start3A_118 = tpu.memref_slice %arg8[%add3A_77, %dma_start3A_117] : memref<10240x128xbf16, #tpu.memory_space<hbm>> -> memref<128x128xbf16, #tpu.memory_space<hbm>>
        tpu.enqueue_dma source(%arg15 : memref<128x128xbf16, #tpu.memory_space<vmem>>) target(%dma_start3A_118 : memref<128x128xbf16, #tpu.memory_space<hbm>>) target_semaphore(%run_scoped3A : memref<!tpu.dma_semaphore, #tpu.memory_space<semaphore_mem>>)
        %dma_wait3A_119 = arith.constant 0 : i32
        %dma_wait3A_120 = tpu.memref_slice %arg8[%add3A_77, %dma_wait3A_119] : memref<10240x128xbf16, #tpu.memory_space<hbm>> -> memref<128x128xbf16, #tpu.memory_space<hbm>>
        %dma_wait3A_121 = arith.constant 0 : i32
        %dma_wait3A_122 = tpu.memref_slice %arg8[%add3A_77, %dma_wait3A_121] : memref<10240x128xbf16, #tpu.memory_space<hbm>> -> memref<128x128xbf16, #tpu.memory_space<hbm>>
        tpu.wait_dma2 semaphore(%run_scoped3A : memref<!tpu.dma_semaphore, #tpu.memory_space<semaphore_mem>>) src(%arg15 : memref<128x128xbf16, #tpu.memory_space<vmem>>) dst(%dma_wait3A_122 : memref<128x128xbf16, #tpu.memory_space<hbm>>)
        tpu.yield
      }) : () -> ()
      %dma_wait3A_78 = arith.constant 2 : i32
      %dma_wait3A_79 = arith.constant 0 : i32
      %dma_wait3A_80 = tpu.memref_slice %arg11[%dma_wait3A_78, %dma_wait3A_79] : memref<5x128xi32, #tpu.memory_space<vmem>> -> memref<1x128xi32, #tpu.memory_space<vmem>>
      %dma_wait3A_81 = tpu.memref_squeeze %dma_wait3A_80 : memref<1x128xi32, #tpu.memory_space<vmem>> -> memref<128xi32, #tpu.memory_space<vmem>>
      %dma_wait3A_82 = arith.constant 0 : i32
      %dma_wait3A_83 = arith.constant 0 : i32
      %dma_wait3A_84 = tpu.memref_slice %arg5[%dma_wait3A_82, %dma_wait3A_83] : memref<513x128xbf16, #tpu.memory_space<hbm>> -> memref<513x128xbf16, #tpu.memory_space<hbm>>
      tpu.wait_indirect_dma semaphore(%arg21 : memref<!tpu.dma_semaphore, #tpu.memory_space<semaphore_mem>>) src(%dma_wait3A_84 : memref<513x128xbf16, #tpu.memory_space<hbm>>) dst(%arg16 : memref<128x128xbf16, #tpu.memory_space<vmem>>)
      %mul3A_85 = arith.constant 640 : i32
      %mul3A_86 = arith.muli %arg1, %mul3A_85 : i32
      %add3A_87 = arith.constant 256 : i32
      %add3A_88 = arith.addi %mul3A_86, %add3A_87 : i32
      "tpu.region"() ({
        %run_scoped3A = tpu.sem_alloc : memref<!tpu.dma_semaphore, #tpu.memory_space<semaphore_mem>>
        %dma_start3A_115 = arith.constant 0 : i32
        %dma_start3A_116 = tpu.memref_slice %arg8[%add3A_88, %dma_start3A_115] : memref<10240x128xbf16, #tpu.memory_space<hbm>> -> memref<128x128xbf16, #tpu.memory_space<hbm>>
        %dma_start3A_117 = arith.constant 0 : i32
        %dma_start3A_118 = tpu.memref_slice %arg8[%add3A_88, %dma_start3A_117] : memref<10240x128xbf16, #tpu.memory_space<hbm>> -> memref<128x128xbf16, #tpu.memory_space<hbm>>
        tpu.enqueue_dma source(%arg16 : memref<128x128xbf16, #tpu.memory_space<vmem>>) target(%dma_start3A_118 : memref<128x128xbf16, #tpu.memory_space<hbm>>) target_semaphore(%run_scoped3A : memref<!tpu.dma_semaphore, #tpu.memory_space<semaphore_mem>>)
        %dma_wait3A_119 = arith.constant 0 : i32
        %dma_wait3A_120 = tpu.memref_slice %arg8[%add3A_88, %dma_wait3A_119] : memref<10240x128xbf16, #tpu.memory_space<hbm>> -> memref<128x128xbf16, #tpu.memory_space<hbm>>
        %dma_wait3A_121 = arith.constant 0 : i32
        %dma_wait3A_122 = tpu.memref_slice %arg8[%add3A_88, %dma_wait3A_121] : memref<10240x128xbf16, #tpu.memory_space<hbm>> -> memref<128x128xbf16, #tpu.memory_space<hbm>>
        tpu.wait_dma2 semaphore(%run_scoped3A : memref<!tpu.dma_semaphore, #tpu.memory_space<semaphore_mem>>) src(%arg16 : memref<128x128xbf16, #tpu.memory_space<vmem>>) dst(%dma_wait3A_122 : memref<128x128xbf16, #tpu.memory_space<hbm>>)
        tpu.yield
      }) : () -> ()
      %dma_wait3A_89 = arith.constant 3 : i32
      %dma_wait3A_90 = arith.constant 0 : i32
      %dma_wait3A_91 = tpu.memref_slice %arg11[%dma_wait3A_89, %dma_wait3A_90] : memref<5x128xi32, #tpu.memory_space<vmem>> -> memref<1x128xi32, #tpu.memory_space<vmem>>
      %dma_wait3A_92 = tpu.memref_squeeze %dma_wait3A_91 : memref<1x128xi32, #tpu.memory_space<vmem>> -> memref<128xi32, #tpu.memory_space<vmem>>
      %dma_wait3A_93 = arith.constant 0 : i32
      %dma_wait3A_94 = arith.constant 0 : i32
      %dma_wait3A_95 = tpu.memref_slice %arg5[%dma_wait3A_93, %dma_wait3A_94] : memref<513x128xbf16, #tpu.memory_space<hbm>> -> memref<513x128xbf16, #tpu.memory_space<hbm>>
      tpu.wait_indirect_dma semaphore(%arg22 : memref<!tpu.dma_semaphore, #tpu.memory_space<semaphore_mem>>) src(%dma_wait3A_95 : memref<513x128xbf16, #tpu.memory_space<hbm>>) dst(%arg17 : memref<128x128xbf16, #tpu.memory_space<vmem>>)
      %mul3A_96 = arith.constant 640 : i32
      %mul3A_97 = arith.muli %arg1, %mul3A_96 : i32
      %add3A_98 = arith.constant 384 : i32
      %add3A_99 = arith.addi %mul3A_97, %add3A_98 : i32
      "tpu.region"() ({
        %run_scoped3A = tpu.sem_alloc : memref<!tpu.dma_semaphore, #tpu.memory_space<semaphore_mem>>
        %dma_start3A_115 = arith.constant 0 : i32
        %dma_start3A_116 = tpu.memref_slice %arg8[%add3A_99, %dma_start3A_115] : memref<10240x128xbf16, #tpu.memory_space<hbm>> -> memref<128x128xbf16, #tpu.memory_space<hbm>>
        %dma_start3A_117 = arith.constant 0 : i32
        %dma_start3A_118 = tpu.memref_slice %arg8[%add3A_99, %dma_start3A_117] : memref<10240x128xbf16, #tpu.memory_space<hbm>> -> memref<128x128xbf16, #tpu.memory_space<hbm>>
        tpu.enqueue_dma source(%arg17 : memref<128x128xbf16, #tpu.memory_space<vmem>>) target(%dma_start3A_118 : memref<128x128xbf16, #tpu.memory_space<hbm>>) target_semaphore(%run_scoped3A : memref<!tpu.dma_semaphore, #tpu.memory_space<semaphore_mem>>)
        %dma_wait3A_119 = arith.constant 0 : i32
        %dma_wait3A_120 = tpu.memref_slice %arg8[%add3A_99, %dma_wait3A_119] : memref<10240x128xbf16, #tpu.memory_space<hbm>> -> memref<128x128xbf16, #tpu.memory_space<hbm>>
        %dma_wait3A_121 = arith.constant 0 : i32
        %dma_wait3A_122 = tpu.memref_slice %arg8[%add3A_99, %dma_wait3A_121] : memref<10240x128xbf16, #tpu.memory_space<hbm>> -> memref<128x128xbf16, #tpu.memory_space<hbm>>
        tpu.wait_dma2 semaphore(%run_scoped3A : memref<!tpu.dma_semaphore, #tpu.memory_space<semaphore_mem>>) src(%arg17 : memref<128x128xbf16, #tpu.memory_space<vmem>>) dst(%dma_wait3A_122 : memref<128x128xbf16, #tpu.memory_space<hbm>>)
        tpu.yield
      }) : () -> ()
      %dma_wait3A_100 = arith.constant 4 : i32
      %dma_wait3A_101 = arith.constant 0 : i32
      %dma_wait3A_102 = tpu.memref_slice %arg11[%dma_wait3A_100, %dma_wait3A_101] : memref<5x128xi32, #tpu.memory_space<vmem>> -> memref<1x128xi32, #tpu.memory_space<vmem>>
      %dma_wait3A_103 = tpu.memref_squeeze %dma_wait3A_102 : memref<1x128xi32, #tpu.memory_space<vmem>> -> memref<128xi32, #tpu.memory_space<vmem>>
      %dma_wait3A_104 = arith.constant 0 : i32
      %dma_wait3A_105 = arith.constant 0 : i32
      %dma_wait3A_106 = tpu.memref_slice %arg5[%dma_wait3A_104, %dma_wait3A_105] : memref<513x128xbf16, #tpu.memory_space<hbm>> -> memref<513x128xbf16, #tpu.memory_space<hbm>>
      tpu.wait_indirect_dma semaphore(%arg19 : memref<!tpu.dma_semaphore, #tpu.memory_space<semaphore_mem>>) src(%dma_wait3A_106 : memref<513x128xbf16, #tpu.memory_space<hbm>>) dst(%arg14 : memref<128x128xbf16, #tpu.memory_space<vmem>>)
      %mul3A_107 = arith.constant 640 : i32
      %mul3A_108 = arith.muli %arg1, %mul3A_107 : i32
      %add3A_109 = arith.constant 512 : i32
      %add3A_110 = arith.addi %mul3A_108, %add3A_109 : i32
      "tpu.region"() ({
        %run_scoped3A = tpu.sem_alloc : memref<!tpu.dma_semaphore, #tpu.memory_space<semaphore_mem>>
        %dma_start3A_115 = arith.constant 0 : i32
        %dma_start3A_116 = tpu.memref_slice %arg8[%add3A_110, %dma_start3A_115] : memref<10240x128xbf16, #tpu.memory_space<hbm>> -> memref<128x128xbf16, #tpu.memory_space<hbm>>
        %dma_start3A_117 = arith.constant 0 : i32
        %dma_start3A_118 = tpu.memref_slice %arg8[%add3A_110, %dma_start3A_117] : memref<10240x128xbf16, #tpu.memory_space<hbm>> -> memref<128x128xbf16, #tpu.memory_space<hbm>>
        tpu.enqueue_dma source(%arg14 : memref<128x128xbf16, #tpu.memory_space<vmem>>) target(%dma_start3A_118 : memref<128x128xbf16, #tpu.memory_space<hbm>>) target_semaphore(%run_scoped3A : memref<!tpu.dma_semaphore, #tpu.memory_space<semaphore_mem>>)
        %dma_wait3A_119 = arith.constant 0 : i32
        %dma_wait3A_120 = tpu.memref_slice %arg8[%add3A_110, %dma_wait3A_119] : memref<10240x128xbf16, #tpu.memory_space<hbm>> -> memref<128x128xbf16, #tpu.memory_space<hbm>>
        %dma_wait3A_121 = arith.constant 0 : i32
        %dma_wait3A_122 = tpu.memref_slice %arg8[%add3A_110, %dma_wait3A_121] : memref<10240x128xbf16, #tpu.memory_space<hbm>> -> memref<128x128xbf16, #tpu.memory_space<hbm>>
        tpu.wait_dma2 semaphore(%run_scoped3A : memref<!tpu.dma_semaphore, #tpu.memory_space<semaphore_mem>>) src(%arg14 : memref<128x128xbf16, #tpu.memory_space<vmem>>) dst(%dma_wait3A_122 : memref<128x128xbf16, #tpu.memory_space<hbm>>)
        tpu.yield
      }) : () -> ()
      %mul3A_111 = arith.constant 640 : i32
      %mul3A_112 = arith.muli %arg1, %mul3A_111 : i32
      %add3A_113 = arith.constant 625 : i32
      %add3A_114 = arith.addi %mul3A_112, %add3A_113 : i32
      "tpu.region"() ({
        %run_scoped3A = tpu.sem_alloc : memref<!tpu.dma_semaphore, #tpu.memory_space<semaphore_mem>>
        %dma_start3A_115 = arith.constant 0 : i32
        %dma_start3A_116 = tpu.memref_slice %arg8[%add3A_114, %dma_start3A_115] : memref<10240x128xbf16, #tpu.memory_space<hbm>> -> memref<15x128xbf16, #tpu.memory_space<hbm>>
        %dma_start3A_117 = arith.constant 0 : i32
        %dma_start3A_118 = arith.constant 0 : i32
        %dma_start3A_119 = tpu.memref_slice %arg7[%dma_start3A_117, %dma_start3A_118] : memref<640x128xbf16, #tpu.memory_space<hbm>> -> memref<15x128xbf16, #tpu.memory_space<hbm>>
        tpu.enqueue_dma source(%dma_start3A_119 : memref<15x128xbf16, #tpu.memory_space<hbm>>) target(%dma_start3A_116 : memref<15x128xbf16, #tpu.memory_space<hbm>>) target_semaphore(%run_scoped3A : memref<!tpu.dma_semaphore, #tpu.memory_space<semaphore_mem>>)
        %dma_wait3A_120 = arith.constant 0 : i32
        %dma_wait3A_121 = tpu.memref_slice %arg8[%add3A_114, %dma_wait3A_120] : memref<10240x128xbf16, #tpu.memory_space<hbm>> -> memref<15x128xbf16, #tpu.memory_space<hbm>>
        %dma_wait3A_122 = arith.constant 0 : i32
        %dma_wait3A_123 = arith.constant 0 : i32
        %dma_wait3A_124 = tpu.memref_slice %arg7[%dma_wait3A_122, %dma_wait3A_123] : memref<640x128xbf16, #tpu.memory_space<hbm>> -> memref<15x128xbf16, #tpu.memory_space<hbm>>
        tpu.wait_dma2 semaphore(%run_scoped3A : memref<!tpu.dma_semaphore, #tpu.memory_space<semaphore_mem>>) src(%dma_wait3A_124 : memref<15x128xbf16, #tpu.memory_space<hbm>>) dst(%dma_wait3A_121 : memref<15x128xbf16, #tpu.memory_space<hbm>>)
        tpu.yield
      }) : () -> ()
    } else {
    }
    %barrier3A = arith.constant 0 : index
    tpu.barrier barrier_id(%barrier3A)
    %eq3A_3 = arith.constant 0 : i32
    %eq3A_4 = arith.cmpi eq, %arg0, %eq3A_3 : i32
    %convert_element_type3A_5 = arith.extui %eq3A_4 : i1 to i32
    %cond3A_6 = arith.constant 0 : i32
    %cond3A_7 = arith.cmpi ne, %convert_element_type3A_5, %cond3A_6 : i32
    scf.if %cond3A_7 {
      %dma_start3A = arith.constant 0 : i32
      %dma_start3A_24 = arith.constant 0 : i32
      %dma_start3A_25 = tpu.memref_slice %arg12[%dma_start3A, %dma_start3A_24] : memref<79x128xi32, #tpu.memory_space<vmem>> -> memref<1x128xi32, #tpu.memory_space<vmem>>
      %dma_start3A_26 = tpu.memref_squeeze %dma_start3A_25 : memref<1x128xi32, #tpu.memory_space<vmem>> -> memref<128xi32, #tpu.memory_space<vmem>>
      %dma_start3A_27 = arith.constant 0 : i32
      %dma_start3A_28 = arith.constant 0 : i32
      %dma_start3A_29 = tpu.memref_slice %arg8[%dma_start3A_27, %dma_start3A_28] : memref<10240x128xbf16, #tpu.memory_space<hbm>> -> memref<10240x128xbf16, #tpu.memory_space<hbm>>
      tpu.enqueue_indirect_dma source(%dma_start3A_29 : memref<10240x128xbf16, #tpu.memory_space<hbm>>) target(%arg14 : memref<128x128xbf16, #tpu.memory_space<vmem>>) offsets(%dma_start3A_26 : memref<128xi32, #tpu.memory_space<vmem>>) semaphore(%arg19 : memref<!tpu.dma_semaphore, #tpu.memory_space<semaphore_mem>>)
      %dma_start3A_30 = arith.constant 1 : i32
      %dma_start3A_31 = arith.constant 0 : i32
      %dma_start3A_32 = tpu.memref_slice %arg12[%dma_start3A_30, %dma_start3A_31] : memref<79x128xi32, #tpu.memory_space<vmem>> -> memref<1x128xi32, #tpu.memory_space<vmem>>
      %dma_start3A_33 = tpu.memref_squeeze %dma_start3A_32 : memref<1x128xi32, #tpu.memory_space<vmem>> -> memref<128xi32, #tpu.memory_space<vmem>>
      %dma_start3A_34 = arith.constant 0 : i32
      %dma_start3A_35 = arith.constant 0 : i32
      %dma_start3A_36 = tpu.memref_slice %arg8[%dma_start3A_34, %dma_start3A_35] : memref<10240x128xbf16, #tpu.memory_space<hbm>> -> memref<10240x128xbf16, #tpu.memory_space<hbm>>
      tpu.enqueue_indirect_dma source(%dma_start3A_36 : memref<10240x128xbf16, #tpu.memory_space<hbm>>) target(%arg15 : memref<128x128xbf16, #tpu.memory_space<vmem>>) offsets(%dma_start3A_33 : memref<128xi32, #tpu.memory_space<vmem>>) semaphore(%arg20 : memref<!tpu.dma_semaphore, #tpu.memory_space<semaphore_mem>>)
      %dma_start3A_37 = arith.constant 2 : i32
      %dma_start3A_38 = arith.constant 0 : i32
      %dma_start3A_39 = tpu.memref_slice %arg12[%dma_start3A_37, %dma_start3A_38] : memref<79x128xi32, #tpu.memory_space<vmem>> -> memref<1x128xi32, #tpu.memory_space<vmem>>
      %dma_start3A_40 = tpu.memref_squeeze %dma_start3A_39 : memref<1x128xi32, #tpu.memory_space<vmem>> -> memref<128xi32, #tpu.memory_space<vmem>>
      %dma_start3A_41 = arith.constant 0 : i32
      %dma_start3A_42 = arith.constant 0 : i32
      %dma_start3A_43 = tpu.memref_slice %arg8[%dma_start3A_41, %dma_start3A_42] : memref<10240x128xbf16, #tpu.memory_space<hbm>> -> memref<10240x128xbf16, #tpu.memory_space<hbm>>
      tpu.enqueue_indirect_dma source(%dma_start3A_43 : memref<10240x128xbf16, #tpu.memory_space<hbm>>) target(%arg16 : memref<128x128xbf16, #tpu.memory_space<vmem>>) offsets(%dma_start3A_40 : memref<128xi32, #tpu.memory_space<vmem>>) semaphore(%arg21 : memref<!tpu.dma_semaphore, #tpu.memory_space<semaphore_mem>>)
      %scan3A = arith.constant 0 : i32
      %scan3A_44 = arith.constant 0 : i32
      %scan3A_45 = arith.constant 19 : i32
      %scan3A_46 = arith.addi %scan3A_44, %scan3A_45 : i32
      %scan3A_47 = arith.constant 1 : i32
      %scan3A_48 = scf.for %scan3A_72 = %scan3A_44 to %scan3A_46 step %scan3A_47 iter_args(%scan3A_73 = %scan3A) -> (i32)  : i32 {
        %mul3A_74 = arith.constant 4 : i32
        %mul3A_75 = arith.muli %scan3A_72, %mul3A_74 : i32
        %add3A = arith.constant 0 : i32
        %add3A_76 = arith.addi %mul3A_75, %add3A : i32
        %add3A_77 = arith.constant 3 : i32
        %add3A_78 = arith.addi %add3A_76, %add3A_77 : i32
        %dma_start3A_79 = arith.constant 0 : i32
        %dma_start3A_80 = tpu.memref_slice %arg12[%add3A_78, %dma_start3A_79] : memref<79x128xi32, #tpu.memory_space<vmem>> -> memref<1x128xi32, #tpu.memory_space<vmem>>
        %dma_start3A_81 = tpu.memref_squeeze %dma_start3A_80 : memref<1x128xi32, #tpu.memory_space<vmem>> -> memref<128xi32, #tpu.memory_space<vmem>>
        %dma_start3A_82 = arith.constant 0 : i32
        %dma_start3A_83 = arith.constant 0 : i32
        %dma_start3A_84 = tpu.memref_slice %arg8[%dma_start3A_82, %dma_start3A_83] : memref<10240x128xbf16, #tpu.memory_space<hbm>> -> memref<10240x128xbf16, #tpu.memory_space<hbm>>
        tpu.enqueue_indirect_dma source(%dma_start3A_84 : memref<10240x128xbf16, #tpu.memory_space<hbm>>) target(%arg17 : memref<128x128xbf16, #tpu.memory_space<vmem>>) offsets(%dma_start3A_81 : memref<128xi32, #tpu.memory_space<vmem>>) semaphore(%arg22 : memref<!tpu.dma_semaphore, #tpu.memory_space<semaphore_mem>>)
        %add3A_85 = arith.constant 0 : i32
        %add3A_86 = arith.addi %mul3A_75, %add3A_85 : i32
        %dma_wait3A_87 = arith.constant 0 : i32
        %dma_wait3A_88 = tpu.memref_slice %arg12[%add3A_86, %dma_wait3A_87] : memref<79x128xi32, #tpu.memory_space<vmem>> -> memref<1x128xi32, #tpu.memory_space<vmem>>
        %dma_wait3A_89 = tpu.memref_squeeze %dma_wait3A_88 : memref<1x128xi32, #tpu.memory_space<vmem>> -> memref<128xi32, #tpu.memory_space<vmem>>
        %dma_wait3A_90 = arith.constant 0 : i32
        %dma_wait3A_91 = arith.constant 0 : i32
        %dma_wait3A_92 = tpu.memref_slice %arg8[%dma_wait3A_90, %dma_wait3A_91] : memref<10240x128xbf16, #tpu.memory_space<hbm>> -> memref<10240x128xbf16, #tpu.memory_space<hbm>>
        tpu.wait_indirect_dma semaphore(%arg19 : memref<!tpu.dma_semaphore, #tpu.memory_space<semaphore_mem>>) src(%dma_wait3A_92 : memref<10240x128xbf16, #tpu.memory_space<hbm>>) dst(%arg14 : memref<128x128xbf16, #tpu.memory_space<vmem>>)
        "tpu.region"() ({
          %run_scoped3A_148 = tpu.sem_alloc : memref<!tpu.dma_semaphore, #tpu.memory_space<semaphore_mem>>
          %dma_start3A_149 = arith.constant 0 : i32
          %dma_start3A_150 = tpu.memref_slice %arg13[%add3A_86, %dma_start3A_149] : memref<79x128xi32, #tpu.memory_space<vmem>> -> memref<1x128xi32, #tpu.memory_space<vmem>>
          %dma_start3A_151 = tpu.memref_squeeze %dma_start3A_150 : memref<1x128xi32, #tpu.memory_space<vmem>> -> memref<128xi32, #tpu.memory_space<vmem>>
          %dma_start3A_152 = arith.constant 0 : i32
          %dma_start3A_153 = arith.constant 0 : i32
          %dma_start3A_154 = tpu.memref_slice %arg18[%dma_start3A_152, %dma_start3A_153] : memref<10240x128xbf16, #tpu.memory_space<vmem_shared>> -> memref<10240x128xbf16, #tpu.memory_space<vmem_shared>>
          tpu.enqueue_indirect_dma source(%arg14 : memref<128x128xbf16, #tpu.memory_space<vmem>>) target(%dma_start3A_154 : memref<10240x128xbf16, #tpu.memory_space<vmem_shared>>) offsets(%dma_start3A_151 : memref<128xi32, #tpu.memory_space<vmem>>) semaphore(%run_scoped3A_148 : memref<!tpu.dma_semaphore, #tpu.memory_space<semaphore_mem>>) {add = true}
          %dma_wait3A_155 = arith.constant 0 : i32
          %dma_wait3A_156 = tpu.memref_slice %arg13[%add3A_86, %dma_wait3A_155] : memref<79x128xi32, #tpu.memory_space<vmem>> -> memref<1x128xi32, #tpu.memory_space<vmem>>
          %dma_wait3A_157 = tpu.memref_squeeze %dma_wait3A_156 : memref<1x128xi32, #tpu.memory_space<vmem>> -> memref<128xi32, #tpu.memory_space<vmem>>
          %dma_wait3A_158 = arith.constant 0 : i32
          %dma_wait3A_159 = arith.constant 0 : i32
          %dma_wait3A_160 = tpu.memref_slice %arg18[%dma_wait3A_158, %dma_wait3A_159] : memref<10240x128xbf16, #tpu.memory_space<vmem_shared>> -> memref<10240x128xbf16, #tpu.memory_space<vmem_shared>>
          tpu.wait_indirect_dma semaphore(%run_scoped3A_148 : memref<!tpu.dma_semaphore, #tpu.memory_space<semaphore_mem>>) src(%arg14 : memref<128x128xbf16, #tpu.memory_space<vmem>>) dst(%dma_wait3A_160 : memref<10240x128xbf16, #tpu.memory_space<vmem_shared>>)
          tpu.yield
        }) : () -> ()
        %add3A_93 = arith.constant 1 : i32
        %add3A_94 = arith.addi %mul3A_75, %add3A_93 : i32
        %add3A_95 = arith.constant 3 : i32
        %add3A_96 = arith.addi %add3A_94, %add3A_95 : i32
        %dma_start3A_97 = arith.constant 0 : i32
        %dma_start3A_98 = tpu.memref_slice %arg12[%add3A_96, %dma_start3A_97] : memref<79x128xi32, #tpu.memory_space<vmem>> -> memref<1x128xi32, #tpu.memory_space<vmem>>
        %dma_start3A_99 = tpu.memref_squeeze %dma_start3A_98 : memref<1x128xi32, #tpu.memory_space<vmem>> -> memref<128xi32, #tpu.memory_space<vmem>>
        %dma_start3A_100 = arith.constant 0 : i32
        %dma_start3A_101 = arith.constant 0 : i32
        %dma_start3A_102 = tpu.memref_slice %arg8[%dma_start3A_100, %dma_start3A_101] : memref<10240x128xbf16, #tpu.memory_space<hbm>> -> memref<10240x128xbf16, #tpu.memory_space<hbm>>
        tpu.enqueue_indirect_dma source(%dma_start3A_102 : memref<10240x128xbf16, #tpu.memory_space<hbm>>) target(%arg14 : memref<128x128xbf16, #tpu.memory_space<vmem>>) offsets(%dma_start3A_99 : memref<128xi32, #tpu.memory_space<vmem>>) semaphore(%arg19 : memref<!tpu.dma_semaphore, #tpu.memory_space<semaphore_mem>>)
        %add3A_103 = arith.constant 1 : i32
        %add3A_104 = arith.addi %mul3A_75, %add3A_103 : i32
        %dma_wait3A_105 = arith.constant 0 : i32
        %dma_wait3A_106 = tpu.memref_slice %arg12[%add3A_104, %dma_wait3A_105] : memref<79x128xi32, #tpu.memory_space<vmem>> -> memref<1x128xi32, #tpu.memory_space<vmem>>
        %dma_wait3A_107 = tpu.memref_squeeze %dma_wait3A_106 : memref<1x128xi32, #tpu.memory_space<vmem>> -> memref<128xi32, #tpu.memory_space<vmem>>
        %dma_wait3A_108 = arith.constant 0 : i32
        %dma_wait3A_109 = arith.constant 0 : i32
        %dma_wait3A_110 = tpu.memref_slice %arg8[%dma_wait3A_108, %dma_wait3A_109] : memref<10240x128xbf16, #tpu.memory_space<hbm>> -> memref<10240x128xbf16, #tpu.memory_space<hbm>>
        tpu.wait_indirect_dma semaphore(%arg20 : memref<!tpu.dma_semaphore, #tpu.memory_space<semaphore_mem>>) src(%dma_wait3A_110 : memref<10240x128xbf16, #tpu.memory_space<hbm>>) dst(%arg15 : memref<128x128xbf16, #tpu.memory_space<vmem>>)
        "tpu.region"() ({
          %run_scoped3A_148 = tpu.sem_alloc : memref<!tpu.dma_semaphore, #tpu.memory_space<semaphore_mem>>
          %dma_start3A_149 = arith.constant 0 : i32
          %dma_start3A_150 = tpu.memref_slice %arg13[%add3A_104, %dma_start3A_149] : memref<79x128xi32, #tpu.memory_space<vmem>> -> memref<1x128xi32, #tpu.memory_space<vmem>>
          %dma_start3A_151 = tpu.memref_squeeze %dma_start3A_150 : memref<1x128xi32, #tpu.memory_space<vmem>> -> memref<128xi32, #tpu.memory_space<vmem>>
          %dma_start3A_152 = arith.constant 0 : i32
          %dma_start3A_153 = arith.constant 0 : i32
          %dma_start3A_154 = tpu.memref_slice %arg18[%dma_start3A_152, %dma_start3A_153] : memref<10240x128xbf16, #tpu.memory_space<vmem_shared>> -> memref<10240x128xbf16, #tpu.memory_space<vmem_shared>>
          tpu.enqueue_indirect_dma source(%arg15 : memref<128x128xbf16, #tpu.memory_space<vmem>>) target(%dma_start3A_154 : memref<10240x128xbf16, #tpu.memory_space<vmem_shared>>) offsets(%dma_start3A_151 : memref<128xi32, #tpu.memory_space<vmem>>) semaphore(%run_scoped3A_148 : memref<!tpu.dma_semaphore, #tpu.memory_space<semaphore_mem>>) {add = true}
          %dma_wait3A_155 = arith.constant 0 : i32
          %dma_wait3A_156 = tpu.memref_slice %arg13[%add3A_104, %dma_wait3A_155] : memref<79x128xi32, #tpu.memory_space<vmem>> -> memref<1x128xi32, #tpu.memory_space<vmem>>
          %dma_wait3A_157 = tpu.memref_squeeze %dma_wait3A_156 : memref<1x128xi32, #tpu.memory_space<vmem>> -> memref<128xi32, #tpu.memory_space<vmem>>
          %dma_wait3A_158 = arith.constant 0 : i32
          %dma_wait3A_159 = arith.constant 0 : i32
          %dma_wait3A_160 = tpu.memref_slice %arg18[%dma_wait3A_158, %dma_wait3A_159] : memref<10240x128xbf16, #tpu.memory_space<vmem_shared>> -> memref<10240x128xbf16, #tpu.memory_space<vmem_shared>>
          tpu.wait_indirect_dma semaphore(%run_scoped3A_148 : memref<!tpu.dma_semaphore, #tpu.memory_space<semaphore_mem>>) src(%arg15 : memref<128x128xbf16, #tpu.memory_space<vmem>>) dst(%dma_wait3A_160 : memref<10240x128xbf16, #tpu.memory_space<vmem_shared>>)
          tpu.yield
        }) : () -> ()
        %add3A_111 = arith.constant 2 : i32
        %add3A_112 = arith.addi %mul3A_75, %add3A_111 : i32
        %add3A_113 = arith.constant 3 : i32
        %add3A_114 = arith.addi %add3A_112, %add3A_113 : i32
        %dma_start3A_115 = arith.constant 0 : i32
        %dma_start3A_116 = tpu.memref_slice %arg12[%add3A_114, %dma_start3A_115] : memref<79x128xi32, #tpu.memory_space<vmem>> -> memref<1x128xi32, #tpu.memory_space<vmem>>
        %dma_start3A_117 = tpu.memref_squeeze %dma_start3A_116 : memref<1x128xi32, #tpu.memory_space<vmem>> -> memref<128xi32, #tpu.memory_space<vmem>>
        %dma_start3A_118 = arith.constant 0 : i32
        %dma_start3A_119 = arith.constant 0 : i32
        %dma_start3A_120 = tpu.memref_slice %arg8[%dma_start3A_118, %dma_start3A_119] : memref<10240x128xbf16, #tpu.memory_space<hbm>> -> memref<10240x128xbf16, #tpu.memory_space<hbm>>
        tpu.enqueue_indirect_dma source(%dma_start3A_120 : memref<10240x128xbf16, #tpu.memory_space<hbm>>) target(%arg15 : memref<128x128xbf16, #tpu.memory_space<vmem>>) offsets(%dma_start3A_117 : memref<128xi32, #tpu.memory_space<vmem>>) semaphore(%arg20 : memref<!tpu.dma_semaphore, #tpu.memory_space<semaphore_mem>>)
        %add3A_121 = arith.constant 2 : i32
        %add3A_122 = arith.addi %mul3A_75, %add3A_121 : i32
        %dma_wait3A_123 = arith.constant 0 : i32
        %dma_wait3A_124 = tpu.memref_slice %arg12[%add3A_122, %dma_wait3A_123] : memref<79x128xi32, #tpu.memory_space<vmem>> -> memref<1x128xi32, #tpu.memory_space<vmem>>
        %dma_wait3A_125 = tpu.memref_squeeze %dma_wait3A_124 : memref<1x128xi32, #tpu.memory_space<vmem>> -> memref<128xi32, #tpu.memory_space<vmem>>
        %dma_wait3A_126 = arith.constant 0 : i32
        %dma_wait3A_127 = arith.constant 0 : i32
        %dma_wait3A_128 = tpu.memref_slice %arg8[%dma_wait3A_126, %dma_wait3A_127] : memref<10240x128xbf16, #tpu.memory_space<hbm>> -> memref<10240x128xbf16, #tpu.memory_space<hbm>>
        tpu.wait_indirect_dma semaphore(%arg21 : memref<!tpu.dma_semaphore, #tpu.memory_space<semaphore_mem>>) src(%dma_wait3A_128 : memref<10240x128xbf16, #tpu.memory_space<hbm>>) dst(%arg16 : memref<128x128xbf16, #tpu.memory_space<vmem>>)
        "tpu.region"() ({
          %run_scoped3A_148 = tpu.sem_alloc : memref<!tpu.dma_semaphore, #tpu.memory_space<semaphore_mem>>
          %dma_start3A_149 = arith.constant 0 : i32
          %dma_start3A_150 = tpu.memref_slice %arg13[%add3A_122, %dma_start3A_149] : memref<79x128xi32, #tpu.memory_space<vmem>> -> memref<1x128xi32, #tpu.memory_space<vmem>>
          %dma_start3A_151 = tpu.memref_squeeze %dma_start3A_150 : memref<1x128xi32, #tpu.memory_space<vmem>> -> memref<128xi32, #tpu.memory_space<vmem>>
          %dma_start3A_152 = arith.constant 0 : i32
          %dma_start3A_153 = arith.constant 0 : i32
          %dma_start3A_154 = tpu.memref_slice %arg18[%dma_start3A_152, %dma_start3A_153] : memref<10240x128xbf16, #tpu.memory_space<vmem_shared>> -> memref<10240x128xbf16, #tpu.memory_space<vmem_shared>>
          tpu.enqueue_indirect_dma source(%arg16 : memref<128x128xbf16, #tpu.memory_space<vmem>>) target(%dma_start3A_154 : memref<10240x128xbf16, #tpu.memory_space<vmem_shared>>) offsets(%dma_start3A_151 : memref<128xi32, #tpu.memory_space<vmem>>) semaphore(%run_scoped3A_148 : memref<!tpu.dma_semaphore, #tpu.memory_space<semaphore_mem>>) {add = true}
          %dma_wait3A_155 = arith.constant 0 : i32
          %dma_wait3A_156 = tpu.memref_slice %arg13[%add3A_122, %dma_wait3A_155] : memref<79x128xi32, #tpu.memory_space<vmem>> -> memref<1x128xi32, #tpu.memory_space<vmem>>
          %dma_wait3A_157 = tpu.memref_squeeze %dma_wait3A_156 : memref<1x128xi32, #tpu.memory_space<vmem>> -> memref<128xi32, #tpu.memory_space<vmem>>
          %dma_wait3A_158 = arith.constant 0 : i32
          %dma_wait3A_159 = arith.constant 0 : i32
          %dma_wait3A_160 = tpu.memref_slice %arg18[%dma_wait3A_158, %dma_wait3A_159] : memref<10240x128xbf16, #tpu.memory_space<vmem_shared>> -> memref<10240x128xbf16, #tpu.memory_space<vmem_shared>>
          tpu.wait_indirect_dma semaphore(%run_scoped3A_148 : memref<!tpu.dma_semaphore, #tpu.memory_space<semaphore_mem>>) src(%arg16 : memref<128x128xbf16, #tpu.memory_space<vmem>>) dst(%dma_wait3A_160 : memref<10240x128xbf16, #tpu.memory_space<vmem_shared>>)
          tpu.yield
        }) : () -> ()
        %add3A_129 = arith.constant 3 : i32
        %add3A_130 = arith.addi %mul3A_75, %add3A_129 : i32
        %add3A_131 = arith.constant 3 : i32
        %add3A_132 = arith.addi %add3A_130, %add3A_131 : i32
        %dma_start3A_133 = arith.constant 0 : i32
        %dma_start3A_134 = tpu.memref_slice %arg12[%add3A_132, %dma_start3A_133] : memref<79x128xi32, #tpu.memory_space<vmem>> -> memref<1x128xi32, #tpu.memory_space<vmem>>
        %dma_start3A_135 = tpu.memref_squeeze %dma_start3A_134 : memref<1x128xi32, #tpu.memory_space<vmem>> -> memref<128xi32, #tpu.memory_space<vmem>>
        %dma_start3A_136 = arith.constant 0 : i32
        %dma_start3A_137 = arith.constant 0 : i32
        %dma_start3A_138 = tpu.memref_slice %arg8[%dma_start3A_136, %dma_start3A_137] : memref<10240x128xbf16, #tpu.memory_space<hbm>> -> memref<10240x128xbf16, #tpu.memory_space<hbm>>
        tpu.enqueue_indirect_dma source(%dma_start3A_138 : memref<10240x128xbf16, #tpu.memory_space<hbm>>) target(%arg16 : memref<128x128xbf16, #tpu.memory_space<vmem>>) offsets(%dma_start3A_135 : memref<128xi32, #tpu.memory_space<vmem>>) semaphore(%arg21 : memref<!tpu.dma_semaphore, #tpu.memory_space<semaphore_mem>>)
        %add3A_139 = arith.constant 3 : i32
        %add3A_140 = arith.addi %mul3A_75, %add3A_139 : i32
        %dma_wait3A_141 = arith.constant 0 : i32
        %dma_wait3A_142 = tpu.memref_slice %arg12[%add3A_140, %dma_wait3A_141] : memref<79x128xi32, #tpu.memory_space<vmem>> -> memref<1x128xi32, #tpu.memory_space<vmem>>
        %dma_wait3A_143 = tpu.memref_squeeze %dma_wait3A_142 : memref<1x128xi32, #tpu.memory_space<vmem>> -> memref<128xi32, #tpu.memory_space<vmem>>
        %dma_wait3A_144 = arith.constant 0 : i32
        %dma_wait3A_145 = arith.constant 0 : i32
        %dma_wait3A_146 = tpu.memref_slice %arg8[%dma_wait3A_144, %dma_wait3A_145] : memref<10240x128xbf16, #tpu.memory_space<hbm>> -> memref<10240x128xbf16, #tpu.memory_space<hbm>>
        tpu.wait_indirect_dma semaphore(%arg22 : memref<!tpu.dma_semaphore, #tpu.memory_space<semaphore_mem>>) src(%dma_wait3A_146 : memref<10240x128xbf16, #tpu.memory_space<hbm>>) dst(%arg17 : memref<128x128xbf16, #tpu.memory_space<vmem>>)
        "tpu.region"() ({
          %run_scoped3A_148 = tpu.sem_alloc : memref<!tpu.dma_semaphore, #tpu.memory_space<semaphore_mem>>
          %dma_start3A_149 = arith.constant 0 : i32
          %dma_start3A_150 = tpu.memref_slice %arg13[%add3A_140, %dma_start3A_149] : memref<79x128xi32, #tpu.memory_space<vmem>> -> memref<1x128xi32, #tpu.memory_space<vmem>>
          %dma_start3A_151 = tpu.memref_squeeze %dma_start3A_150 : memref<1x128xi32, #tpu.memory_space<vmem>> -> memref<128xi32, #tpu.memory_space<vmem>>
          %dma_start3A_152 = arith.constant 0 : i32
          %dma_start3A_153 = arith.constant 0 : i32
          %dma_start3A_154 = tpu.memref_slice %arg18[%dma_start3A_152, %dma_start3A_153] : memref<10240x128xbf16, #tpu.memory_space<vmem_shared>> -> memref<10240x128xbf16, #tpu.memory_space<vmem_shared>>
          tpu.enqueue_indirect_dma source(%arg17 : memref<128x128xbf16, #tpu.memory_space<vmem>>) target(%dma_start3A_154 : memref<10240x128xbf16, #tpu.memory_space<vmem_shared>>) offsets(%dma_start3A_151 : memref<128xi32, #tpu.memory_space<vmem>>) semaphore(%run_scoped3A_148 : memref<!tpu.dma_semaphore, #tpu.memory_space<semaphore_mem>>) {add = true}
          %dma_wait3A_155 = arith.constant 0 : i32
          %dma_wait3A_156 = tpu.memref_slice %arg13[%add3A_140, %dma_wait3A_155] : memref<79x128xi32, #tpu.memory_space<vmem>> -> memref<1x128xi32, #tpu.memory_space<vmem>>
          %dma_wait3A_157 = tpu.memref_squeeze %dma_wait3A_156 : memref<1x128xi32, #tpu.memory_space<vmem>> -> memref<128xi32, #tpu.memory_space<vmem>>
          %dma_wait3A_158 = arith.constant 0 : i32
          %dma_wait3A_159 = arith.constant 0 : i32
          %dma_wait3A_160 = tpu.memref_slice %arg18[%dma_wait3A_158, %dma_wait3A_159] : memref<10240x128xbf16, #tpu.memory_space<vmem_shared>> -> memref<10240x128xbf16, #tpu.memory_space<vmem_shared>>
          tpu.wait_indirect_dma semaphore(%run_scoped3A_148 : memref<!tpu.dma_semaphore, #tpu.memory_space<semaphore_mem>>) src(%arg17 : memref<128x128xbf16, #tpu.memory_space<vmem>>) dst(%dma_wait3A_160 : memref<10240x128xbf16, #tpu.memory_space<vmem_shared>>)
          tpu.yield
        }) : () -> ()
        %scan3A_147 = arith.constant 0 : i32
        scf.yield %scan3A_147 : i32
      }
      %scan3A_49 = arith.constant 19 : i32
      %dma_wait3A = arith.constant 76 : i32
      %dma_wait3A_50 = arith.constant 0 : i32
      %dma_wait3A_51 = tpu.memref_slice %arg12[%dma_wait3A, %dma_wait3A_50] : memref<79x128xi32, #tpu.memory_space<vmem>> -> memref<1x128xi32, #tpu.memory_space<vmem>>
      %dma_wait3A_52 = tpu.memref_squeeze %dma_wait3A_51 : memref<1x128xi32, #tpu.memory_space<vmem>> -> memref<128xi32, #tpu.memory_space<vmem>>
      %dma_wait3A_53 = arith.constant 0 : i32
      %dma_wait3A_54 = arith.constant 0 : i32
      %dma_wait3A_55 = tpu.memref_slice %arg8[%dma_wait3A_53, %dma_wait3A_54] : memref<10240x128xbf16, #tpu.memory_space<hbm>> -> memref<10240x128xbf16, #tpu.memory_space<hbm>>
      tpu.wait_indirect_dma semaphore(%arg19 : memref<!tpu.dma_semaphore, #tpu.memory_space<semaphore_mem>>) src(%dma_wait3A_55 : memref<10240x128xbf16, #tpu.memory_space<hbm>>) dst(%arg14 : memref<128x128xbf16, #tpu.memory_space<vmem>>)
      %run_scoped3A = arith.constant 76 : i32
      "tpu.region"() ({
        %run_scoped3A_72 = tpu.sem_alloc : memref<!tpu.dma_semaphore, #tpu.memory_space<semaphore_mem>>
        %dma_start3A_73 = arith.constant 0 : i32
        %dma_start3A_74 = tpu.memref_slice %arg13[%run_scoped3A, %dma_start3A_73] : memref<79x128xi32, #tpu.memory_space<vmem>> -> memref<1x128xi32, #tpu.memory_space<vmem>>
        %dma_start3A_75 = tpu.memref_squeeze %dma_start3A_74 : memref<1x128xi32, #tpu.memory_space<vmem>> -> memref<128xi32, #tpu.memory_space<vmem>>
        %dma_start3A_76 = arith.constant 0 : i32
        %dma_start3A_77 = arith.constant 0 : i32
        %dma_start3A_78 = tpu.memref_slice %arg18[%dma_start3A_76, %dma_start3A_77] : memref<10240x128xbf16, #tpu.memory_space<vmem_shared>> -> memref<10240x128xbf16, #tpu.memory_space<vmem_shared>>
        tpu.enqueue_indirect_dma source(%arg14 : memref<128x128xbf16, #tpu.memory_space<vmem>>) target(%dma_start3A_78 : memref<10240x128xbf16, #tpu.memory_space<vmem_shared>>) offsets(%dma_start3A_75 : memref<128xi32, #tpu.memory_space<vmem>>) semaphore(%run_scoped3A_72 : memref<!tpu.dma_semaphore, #tpu.memory_space<semaphore_mem>>) {add = true}
        %dma_wait3A_79 = arith.constant 0 : i32
        %dma_wait3A_80 = tpu.memref_slice %arg13[%run_scoped3A, %dma_wait3A_79] : memref<79x128xi32, #tpu.memory_space<vmem>> -> memref<1x128xi32, #tpu.memory_space<vmem>>
        %dma_wait3A_81 = tpu.memref_squeeze %dma_wait3A_80 : memref<1x128xi32, #tpu.memory_space<vmem>> -> memref<128xi32, #tpu.memory_space<vmem>>
        %dma_wait3A_82 = arith.constant 0 : i32
        %dma_wait3A_83 = arith.constant 0 : i32
        %dma_wait3A_84 = tpu.memref_slice %arg18[%dma_wait3A_82, %dma_wait3A_83] : memref<10240x128xbf16, #tpu.memory_space<vmem_shared>> -> memref<10240x128xbf16, #tpu.memory_space<vmem_shared>>
        tpu.wait_indirect_dma semaphore(%run_scoped3A_72 : memref<!tpu.dma_semaphore, #tpu.memory_space<semaphore_mem>>) src(%arg14 : memref<128x128xbf16, #tpu.memory_space<vmem>>) dst(%dma_wait3A_84 : memref<10240x128xbf16, #tpu.memory_space<vmem_shared>>)
        tpu.yield
      }) : () -> ()
      %dma_wait3A_56 = arith.constant 77 : i32
      %dma_wait3A_57 = arith.constant 0 : i32
      %dma_wait3A_58 = tpu.memref_slice %arg12[%dma_wait3A_56, %dma_wait3A_57] : memref<79x128xi32, #tpu.memory_space<vmem>> -> memref<1x128xi32, #tpu.memory_space<vmem>>
      %dma_wait3A_59 = tpu.memref_squeeze %dma_wait3A_58 : memref<1x128xi32, #tpu.memory_space<vmem>> -> memref<128xi32, #tpu.memory_space<vmem>>
      %dma_wait3A_60 = arith.constant 0 : i32
      %dma_wait3A_61 = arith.constant 0 : i32
      %dma_wait3A_62 = tpu.memref_slice %arg8[%dma_wait3A_60, %dma_wait3A_61] : memref<10240x128xbf16, #tpu.memory_space<hbm>> -> memref<10240x128xbf16, #tpu.memory_space<hbm>>
      tpu.wait_indirect_dma semaphore(%arg20 : memref<!tpu.dma_semaphore, #tpu.memory_space<semaphore_mem>>) src(%dma_wait3A_62 : memref<10240x128xbf16, #tpu.memory_space<hbm>>) dst(%arg15 : memref<128x128xbf16, #tpu.memory_space<vmem>>)
      %run_scoped3A_63 = arith.constant 77 : i32
      "tpu.region"() ({
        %run_scoped3A_72 = tpu.sem_alloc : memref<!tpu.dma_semaphore, #tpu.memory_space<semaphore_mem>>
        %dma_start3A_73 = arith.constant 0 : i32
        %dma_start3A_74 = tpu.memref_slice %arg13[%run_scoped3A_63, %dma_start3A_73] : memref<79x128xi32, #tpu.memory_space<vmem>> -> memref<1x128xi32, #tpu.memory_space<vmem>>
        %dma_start3A_75 = tpu.memref_squeeze %dma_start3A_74 : memref<1x128xi32, #tpu.memory_space<vmem>> -> memref<128xi32, #tpu.memory_space<vmem>>
        %dma_start3A_76 = arith.constant 0 : i32
        %dma_start3A_77 = arith.constant 0 : i32
        %dma_start3A_78 = tpu.memref_slice %arg18[%dma_start3A_76, %dma_start3A_77] : memref<10240x128xbf16, #tpu.memory_space<vmem_shared>> -> memref<10240x128xbf16, #tpu.memory_space<vmem_shared>>
        tpu.enqueue_indirect_dma source(%arg15 : memref<128x128xbf16, #tpu.memory_space<vmem>>) target(%dma_start3A_78 : memref<10240x128xbf16, #tpu.memory_space<vmem_shared>>) offsets(%dma_start3A_75 : memref<128xi32, #tpu.memory_space<vmem>>) semaphore(%run_scoped3A_72 : memref<!tpu.dma_semaphore, #tpu.memory_space<semaphore_mem>>) {add = true}
        %dma_wait3A_79 = arith.constant 0 : i32
        %dma_wait3A_80 = tpu.memref_slice %arg13[%run_scoped3A_63, %dma_wait3A_79] : memref<79x128xi32, #tpu.memory_space<vmem>> -> memref<1x128xi32, #tpu.memory_space<vmem>>
        %dma_wait3A_81 = tpu.memref_squeeze %dma_wait3A_80 : memref<1x128xi32, #tpu.memory_space<vmem>> -> memref<128xi32, #tpu.memory_space<vmem>>
        %dma_wait3A_82 = arith.constant 0 : i32
        %dma_wait3A_83 = arith.constant 0 : i32
        %dma_wait3A_84 = tpu.memref_slice %arg18[%dma_wait3A_82, %dma_wait3A_83] : memref<10240x128xbf16, #tpu.memory_space<vmem_shared>> -> memref<10240x128xbf16, #tpu.memory_space<vmem_shared>>
        tpu.wait_indirect_dma semaphore(%run_scoped3A_72 : memref<!tpu.dma_semaphore, #tpu.memory_space<semaphore_mem>>) src(%arg15 : memref<128x128xbf16, #tpu.memory_space<vmem>>) dst(%dma_wait3A_84 : memref<10240x128xbf16, #tpu.memory_space<vmem_shared>>)
        tpu.yield
      }) : () -> ()
      %dma_wait3A_64 = arith.constant 78 : i32
      %dma_wait3A_65 = arith.constant 0 : i32
      %dma_wait3A_66 = tpu.memref_slice %arg12[%dma_wait3A_64, %dma_wait3A_65] : memref<79x128xi32, #tpu.memory_space<vmem>> -> memref<1x128xi32, #tpu.memory_space<vmem>>
      %dma_wait3A_67 = tpu.memref_squeeze %dma_wait3A_66 : memref<1x128xi32, #tpu.memory_space<vmem>> -> memref<128xi32, #tpu.memory_space<vmem>>
      %dma_wait3A_68 = arith.constant 0 : i32
      %dma_wait3A_69 = arith.constant 0 : i32
      %dma_wait3A_70 = tpu.memref_slice %arg8[%dma_wait3A_68, %dma_wait3A_69] : memref<10240x128xbf16, #tpu.memory_space<hbm>> -> memref<10240x128xbf16, #tpu.memory_space<hbm>>
      tpu.wait_indirect_dma semaphore(%arg21 : memref<!tpu.dma_semaphore, #tpu.memory_space<semaphore_mem>>) src(%dma_wait3A_70 : memref<10240x128xbf16, #tpu.memory_space<hbm>>) dst(%arg16 : memref<128x128xbf16, #tpu.memory_space<vmem>>)
      %run_scoped3A_71 = arith.constant 78 : i32
      "tpu.region"() ({
        %run_scoped3A_72 = tpu.sem_alloc : memref<!tpu.dma_semaphore, #tpu.memory_space<semaphore_mem>>
        %dma_start3A_73 = arith.constant 0 : i32
        %dma_start3A_74 = tpu.memref_slice %arg13[%run_scoped3A_71, %dma_start3A_73] : memref<79x128xi32, #tpu.memory_space<vmem>> -> memref<1x128xi32, #tpu.memory_space<vmem>>
        %dma_start3A_75 = tpu.memref_squeeze %dma_start3A_74 : memref<1x128xi32, #tpu.memory_space<vmem>> -> memref<128xi32, #tpu.memory_space<vmem>>
        %dma_start3A_76 = arith.constant 0 : i32
        %dma_start3A_77 = arith.constant 0 : i32
        %dma_start3A_78 = tpu.memref_slice %arg18[%dma_start3A_76, %dma_start3A_77] : memref<10240x128xbf16, #tpu.memory_space<vmem_shared>> -> memref<10240x128xbf16, #tpu.memory_space<vmem_shared>>
        tpu.enqueue_indirect_dma source(%arg16 : memref<128x128xbf16, #tpu.memory_space<vmem>>) target(%dma_start3A_78 : memref<10240x128xbf16, #tpu.memory_space<vmem_shared>>) offsets(%dma_start3A_75 : memref<128xi32, #tpu.memory_space<vmem>>) semaphore(%run_scoped3A_72 : memref<!tpu.dma_semaphore, #tpu.memory_space<semaphore_mem>>) {add = true}
        %dma_wait3A_79 = arith.constant 0 : i32
        %dma_wait3A_80 = tpu.memref_slice %arg13[%run_scoped3A_71, %dma_wait3A_79] : memref<79x128xi32, #tpu.memory_space<vmem>> -> memref<1x128xi32, #tpu.memory_space<vmem>>
        %dma_wait3A_81 = tpu.memref_squeeze %dma_wait3A_80 : memref<1x128xi32, #tpu.memory_space<vmem>> -> memref<128xi32, #tpu.memory_space<vmem>>
        %dma_wait3A_82 = arith.constant 0 : i32
        %dma_wait3A_83 = arith.constant 0 : i32
        %dma_wait3A_84 = tpu.memref_slice %arg18[%dma_wait3A_82, %dma_wait3A_83] : memref<10240x128xbf16, #tpu.memory_space<vmem_shared>> -> memref<10240x128xbf16, #tpu.memory_space<vmem_shared>>
        tpu.wait_indirect_dma semaphore(%run_scoped3A_72 : memref<!tpu.dma_semaphore, #tpu.memory_space<semaphore_mem>>) src(%arg16 : memref<128x128xbf16, #tpu.memory_space<vmem>>) dst(%dma_wait3A_84 : memref<10240x128xbf16, #tpu.memory_space<vmem_shared>>)
        tpu.yield
      }) : () -> ()
    } else {
    }
    %eq3A_8 = arith.constant 1 : i32
    %eq3A_9 = arith.cmpi eq, %arg0, %eq3A_8 : i32
    %convert_element_type3A_10 = arith.extui %eq3A_9 : i1 to i32
    %cond3A_11 = arith.constant 0 : i32
    %cond3A_12 = arith.cmpi ne, %convert_element_type3A_10, %cond3A_11 : i32
    scf.if %cond3A_12 {
      %dma_start3A = arith.constant 0 : i32
      %dma_start3A_24 = arith.constant 0 : i32
      %dma_start3A_25 = tpu.memref_slice %arg12[%dma_start3A, %dma_start3A_24] : memref<79x128xi32, #tpu.memory_space<vmem>> -> memref<1x128xi32, #tpu.memory_space<vmem>>
      %dma_start3A_26 = tpu.memref_squeeze %dma_start3A_25 : memref<1x128xi32, #tpu.memory_space<vmem>> -> memref<128xi32, #tpu.memory_space<vmem>>
      %dma_start3A_27 = arith.constant 0 : i32
      %dma_start3A_28 = arith.constant 0 : i32
      %dma_start3A_29 = tpu.memref_slice %arg6[%dma_start3A_27, %dma_start3A_28] : memref<10240x128xbf16, #tpu.memory_space<hbm>> -> memref<10240x128xbf16, #tpu.memory_space<hbm>>
      tpu.enqueue_indirect_dma source(%dma_start3A_29 : memref<10240x128xbf16, #tpu.memory_space<hbm>>) target(%arg14 : memref<128x128xbf16, #tpu.memory_space<vmem>>) offsets(%dma_start3A_26 : memref<128xi32, #tpu.memory_space<vmem>>) semaphore(%arg19 : memref<!tpu.dma_semaphore, #tpu.memory_space<semaphore_mem>>)
      %dma_start3A_30 = arith.constant 1 : i32
      %dma_start3A_31 = arith.constant 0 : i32
      %dma_start3A_32 = tpu.memref_slice %arg12[%dma_start3A_30, %dma_start3A_31] : memref<79x128xi32, #tpu.memory_space<vmem>> -> memref<1x128xi32, #tpu.memory_space<vmem>>
      %dma_start3A_33 = tpu.memref_squeeze %dma_start3A_32 : memref<1x128xi32, #tpu.memory_space<vmem>> -> memref<128xi32, #tpu.memory_space<vmem>>
      %dma_start3A_34 = arith.constant 0 : i32
      %dma_start3A_35 = arith.constant 0 : i32
      %dma_start3A_36 = tpu.memref_slice %arg6[%dma_start3A_34, %dma_start3A_35] : memref<10240x128xbf16, #tpu.memory_space<hbm>> -> memref<10240x128xbf16, #tpu.memory_space<hbm>>
      tpu.enqueue_indirect_dma source(%dma_start3A_36 : memref<10240x128xbf16, #tpu.memory_space<hbm>>) target(%arg15 : memref<128x128xbf16, #tpu.memory_space<vmem>>) offsets(%dma_start3A_33 : memref<128xi32, #tpu.memory_space<vmem>>) semaphore(%arg20 : memref<!tpu.dma_semaphore, #tpu.memory_space<semaphore_mem>>)
      %dma_start3A_37 = arith.constant 2 : i32
      %dma_start3A_38 = arith.constant 0 : i32
      %dma_start3A_39 = tpu.memref_slice %arg12[%dma_start3A_37, %dma_start3A_38] : memref<79x128xi32, #tpu.memory_space<vmem>> -> memref<1x128xi32, #tpu.memory_space<vmem>>
      %dma_start3A_40 = tpu.memref_squeeze %dma_start3A_39 : memref<1x128xi32, #tpu.memory_space<vmem>> -> memref<128xi32, #tpu.memory_space<vmem>>
      %dma_start3A_41 = arith.constant 0 : i32
      %dma_start3A_42 = arith.constant 0 : i32
      %dma_start3A_43 = tpu.memref_slice %arg6[%dma_start3A_41, %dma_start3A_42] : memref<10240x128xbf16, #tpu.memory_space<hbm>> -> memref<10240x128xbf16, #tpu.memory_space<hbm>>
      tpu.enqueue_indirect_dma source(%dma_start3A_43 : memref<10240x128xbf16, #tpu.memory_space<hbm>>) target(%arg16 : memref<128x128xbf16, #tpu.memory_space<vmem>>) offsets(%dma_start3A_40 : memref<128xi32, #tpu.memory_space<vmem>>) semaphore(%arg21 : memref<!tpu.dma_semaphore, #tpu.memory_space<semaphore_mem>>)
      %scan3A = arith.constant 0 : i32
      %scan3A_44 = arith.constant 0 : i32
      %scan3A_45 = arith.constant 19 : i32
      %scan3A_46 = arith.addi %scan3A_44, %scan3A_45 : i32
      %scan3A_47 = arith.constant 1 : i32
      %scan3A_48 = scf.for %scan3A_72 = %scan3A_44 to %scan3A_46 step %scan3A_47 iter_args(%scan3A_73 = %scan3A) -> (i32)  : i32 {
        %mul3A_74 = arith.constant 4 : i32
        %mul3A_75 = arith.muli %scan3A_72, %mul3A_74 : i32
        %add3A = arith.constant 0 : i32
        %add3A_76 = arith.addi %mul3A_75, %add3A : i32
        %add3A_77 = arith.constant 3 : i32
        %add3A_78 = arith.addi %add3A_76, %add3A_77 : i32
        %dma_start3A_79 = arith.constant 0 : i32
        %dma_start3A_80 = tpu.memref_slice %arg12[%add3A_78, %dma_start3A_79] : memref<79x128xi32, #tpu.memory_space<vmem>> -> memref<1x128xi32, #tpu.memory_space<vmem>>
        %dma_start3A_81 = tpu.memref_squeeze %dma_start3A_80 : memref<1x128xi32, #tpu.memory_space<vmem>> -> memref<128xi32, #tpu.memory_space<vmem>>
        %dma_start3A_82 = arith.constant 0 : i32
        %dma_start3A_83 = arith.constant 0 : i32
        %dma_start3A_84 = tpu.memref_slice %arg6[%dma_start3A_82, %dma_start3A_83] : memref<10240x128xbf16, #tpu.memory_space<hbm>> -> memref<10240x128xbf16, #tpu.memory_space<hbm>>
        tpu.enqueue_indirect_dma source(%dma_start3A_84 : memref<10240x128xbf16, #tpu.memory_space<hbm>>) target(%arg17 : memref<128x128xbf16, #tpu.memory_space<vmem>>) offsets(%dma_start3A_81 : memref<128xi32, #tpu.memory_space<vmem>>) semaphore(%arg22 : memref<!tpu.dma_semaphore, #tpu.memory_space<semaphore_mem>>)
        %add3A_85 = arith.constant 0 : i32
        %add3A_86 = arith.addi %mul3A_75, %add3A_85 : i32
        %dma_wait3A_87 = arith.constant 0 : i32
        %dma_wait3A_88 = tpu.memref_slice %arg12[%add3A_86, %dma_wait3A_87] : memref<79x128xi32, #tpu.memory_space<vmem>> -> memref<1x128xi32, #tpu.memory_space<vmem>>
        %dma_wait3A_89 = tpu.memref_squeeze %dma_wait3A_88 : memref<1x128xi32, #tpu.memory_space<vmem>> -> memref<128xi32, #tpu.memory_space<vmem>>
        %dma_wait3A_90 = arith.constant 0 : i32
        %dma_wait3A_91 = arith.constant 0 : i32
        %dma_wait3A_92 = tpu.memref_slice %arg6[%dma_wait3A_90, %dma_wait3A_91] : memref<10240x128xbf16, #tpu.memory_space<hbm>> -> memref<10240x128xbf16, #tpu.memory_space<hbm>>
        tpu.wait_indirect_dma semaphore(%arg19 : memref<!tpu.dma_semaphore, #tpu.memory_space<semaphore_mem>>) src(%dma_wait3A_92 : memref<10240x128xbf16, #tpu.memory_space<hbm>>) dst(%arg14 : memref<128x128xbf16, #tpu.memory_space<vmem>>)
        "tpu.region"() ({
          %run_scoped3A_148 = tpu.sem_alloc : memref<!tpu.dma_semaphore, #tpu.memory_space<semaphore_mem>>
          %dma_start3A_149 = arith.constant 0 : i32
          %dma_start3A_150 = tpu.memref_slice %arg13[%add3A_86, %dma_start3A_149] : memref<79x128xi32, #tpu.memory_space<vmem>> -> memref<1x128xi32, #tpu.memory_space<vmem>>
          %dma_start3A_151 = tpu.memref_squeeze %dma_start3A_150 : memref<1x128xi32, #tpu.memory_space<vmem>> -> memref<128xi32, #tpu.memory_space<vmem>>
          %dma_start3A_152 = arith.constant 0 : i32
          %dma_start3A_153 = arith.constant 0 : i32
          %dma_start3A_154 = tpu.memref_slice %arg18[%dma_start3A_152, %dma_start3A_153] : memref<10240x128xbf16, #tpu.memory_space<vmem_shared>> -> memref<10240x128xbf16, #tpu.memory_space<vmem_shared>>
          tpu.enqueue_indirect_dma source(%arg14 : memref<128x128xbf16, #tpu.memory_space<vmem>>) target(%dma_start3A_154 : memref<10240x128xbf16, #tpu.memory_space<vmem_shared>>) offsets(%dma_start3A_151 : memref<128xi32, #tpu.memory_space<vmem>>) semaphore(%run_scoped3A_148 : memref<!tpu.dma_semaphore, #tpu.memory_space<semaphore_mem>>) {add = true}
          %dma_wait3A_155 = arith.constant 0 : i32
          %dma_wait3A_156 = tpu.memref_slice %arg13[%add3A_86, %dma_wait3A_155] : memref<79x128xi32, #tpu.memory_space<vmem>> -> memref<1x128xi32, #tpu.memory_space<vmem>>
          %dma_wait3A_157 = tpu.memref_squeeze %dma_wait3A_156 : memref<1x128xi32, #tpu.memory_space<vmem>> -> memref<128xi32, #tpu.memory_space<vmem>>
          %dma_wait3A_158 = arith.constant 0 : i32
          %dma_wait3A_159 = arith.constant 0 : i32
          %dma_wait3A_160 = tpu.memref_slice %arg18[%dma_wait3A_158, %dma_wait3A_159] : memref<10240x128xbf16, #tpu.memory_space<vmem_shared>> -> memref<10240x128xbf16, #tpu.memory_space<vmem_shared>>
          tpu.wait_indirect_dma semaphore(%run_scoped3A_148 : memref<!tpu.dma_semaphore, #tpu.memory_space<semaphore_mem>>) src(%arg14 : memref<128x128xbf16, #tpu.memory_space<vmem>>) dst(%dma_wait3A_160 : memref<10240x128xbf16, #tpu.memory_space<vmem_shared>>)
          tpu.yield
        }) : () -> ()
        %add3A_93 = arith.constant 1 : i32
        %add3A_94 = arith.addi %mul3A_75, %add3A_93 : i32
        %add3A_95 = arith.constant 3 : i32
        %add3A_96 = arith.addi %add3A_94, %add3A_95 : i32
        %dma_start3A_97 = arith.constant 0 : i32
        %dma_start3A_98 = tpu.memref_slice %arg12[%add3A_96, %dma_start3A_97] : memref<79x128xi32, #tpu.memory_space<vmem>> -> memref<1x128xi32, #tpu.memory_space<vmem>>
        %dma_start3A_99 = tpu.memref_squeeze %dma_start3A_98 : memref<1x128xi32, #tpu.memory_space<vmem>> -> memref<128xi32, #tpu.memory_space<vmem>>
        %dma_start3A_100 = arith.constant 0 : i32
        %dma_start3A_101 = arith.constant 0 : i32
        %dma_start3A_102 = tpu.memref_slice %arg6[%dma_start3A_100, %dma_start3A_101] : memref<10240x128xbf16, #tpu.memory_space<hbm>> -> memref<10240x128xbf16, #tpu.memory_space<hbm>>
        tpu.enqueue_indirect_dma source(%dma_start3A_102 : memref<10240x128xbf16, #tpu.memory_space<hbm>>) target(%arg14 : memref<128x128xbf16, #tpu.memory_space<vmem>>) offsets(%dma_start3A_99 : memref<128xi32, #tpu.memory_space<vmem>>) semaphore(%arg19 : memref<!tpu.dma_semaphore, #tpu.memory_space<semaphore_mem>>)
        %add3A_103 = arith.constant 1 : i32
        %add3A_104 = arith.addi %mul3A_75, %add3A_103 : i32
        %dma_wait3A_105 = arith.constant 0 : i32
        %dma_wait3A_106 = tpu.memref_slice %arg12[%add3A_104, %dma_wait3A_105] : memref<79x128xi32, #tpu.memory_space<vmem>> -> memref<1x128xi32, #tpu.memory_space<vmem>>
        %dma_wait3A_107 = tpu.memref_squeeze %dma_wait3A_106 : memref<1x128xi32, #tpu.memory_space<vmem>> -> memref<128xi32, #tpu.memory_space<vmem>>
        %dma_wait3A_108 = arith.constant 0 : i32
        %dma_wait3A_109 = arith.constant 0 : i32
        %dma_wait3A_110 = tpu.memref_slice %arg6[%dma_wait3A_108, %dma_wait3A_109] : memref<10240x128xbf16, #tpu.memory_space<hbm>> -> memref<10240x128xbf16, #tpu.memory_space<hbm>>
        tpu.wait_indirect_dma semaphore(%arg20 : memref<!tpu.dma_semaphore, #tpu.memory_space<semaphore_mem>>) src(%dma_wait3A_110 : memref<10240x128xbf16, #tpu.memory_space<hbm>>) dst(%arg15 : memref<128x128xbf16, #tpu.memory_space<vmem>>)
        "tpu.region"() ({
          %run_scoped3A_148 = tpu.sem_alloc : memref<!tpu.dma_semaphore, #tpu.memory_space<semaphore_mem>>
          %dma_start3A_149 = arith.constant 0 : i32
          %dma_start3A_150 = tpu.memref_slice %arg13[%add3A_104, %dma_start3A_149] : memref<79x128xi32, #tpu.memory_space<vmem>> -> memref<1x128xi32, #tpu.memory_space<vmem>>
          %dma_start3A_151 = tpu.memref_squeeze %dma_start3A_150 : memref<1x128xi32, #tpu.memory_space<vmem>> -> memref<128xi32, #tpu.memory_space<vmem>>
          %dma_start3A_152 = arith.constant 0 : i32
          %dma_start3A_153 = arith.constant 0 : i32
          %dma_start3A_154 = tpu.memref_slice %arg18[%dma_start3A_152, %dma_start3A_153] : memref<10240x128xbf16, #tpu.memory_space<vmem_shared>> -> memref<10240x128xbf16, #tpu.memory_space<vmem_shared>>
          tpu.enqueue_indirect_dma source(%arg15 : memref<128x128xbf16, #tpu.memory_space<vmem>>) target(%dma_start3A_154 : memref<10240x128xbf16, #tpu.memory_space<vmem_shared>>) offsets(%dma_start3A_151 : memref<128xi32, #tpu.memory_space<vmem>>) semaphore(%run_scoped3A_148 : memref<!tpu.dma_semaphore, #tpu.memory_space<semaphore_mem>>) {add = true}
          %dma_wait3A_155 = arith.constant 0 : i32
          %dma_wait3A_156 = tpu.memref_slice %arg13[%add3A_104, %dma_wait3A_155] : memref<79x128xi32, #tpu.memory_space<vmem>> -> memref<1x128xi32, #tpu.memory_space<vmem>>
          %dma_wait3A_157 = tpu.memref_squeeze %dma_wait3A_156 : memref<1x128xi32, #tpu.memory_space<vmem>> -> memref<128xi32, #tpu.memory_space<vmem>>
          %dma_wait3A_158 = arith.constant 0 : i32
          %dma_wait3A_159 = arith.constant 0 : i32
          %dma_wait3A_160 = tpu.memref_slice %arg18[%dma_wait3A_158, %dma_wait3A_159] : memref<10240x128xbf16, #tpu.memory_space<vmem_shared>> -> memref<10240x128xbf16, #tpu.memory_space<vmem_shared>>
          tpu.wait_indirect_dma semaphore(%run_scoped3A_148 : memref<!tpu.dma_semaphore, #tpu.memory_space<semaphore_mem>>) src(%arg15 : memref<128x128xbf16, #tpu.memory_space<vmem>>) dst(%dma_wait3A_160 : memref<10240x128xbf16, #tpu.memory_space<vmem_shared>>)
          tpu.yield
        }) : () -> ()
        %add3A_111 = arith.constant 2 : i32
        %add3A_112 = arith.addi %mul3A_75, %add3A_111 : i32
        %add3A_113 = arith.constant 3 : i32
        %add3A_114 = arith.addi %add3A_112, %add3A_113 : i32
        %dma_start3A_115 = arith.constant 0 : i32
        %dma_start3A_116 = tpu.memref_slice %arg12[%add3A_114, %dma_start3A_115] : memref<79x128xi32, #tpu.memory_space<vmem>> -> memref<1x128xi32, #tpu.memory_space<vmem>>
        %dma_start3A_117 = tpu.memref_squeeze %dma_start3A_116 : memref<1x128xi32, #tpu.memory_space<vmem>> -> memref<128xi32, #tpu.memory_space<vmem>>
        %dma_start3A_118 = arith.constant 0 : i32
        %dma_start3A_119 = arith.constant 0 : i32
        %dma_start3A_120 = tpu.memref_slice %arg6[%dma_start3A_118, %dma_start3A_119] : memref<10240x128xbf16, #tpu.memory_space<hbm>> -> memref<10240x128xbf16, #tpu.memory_space<hbm>>
        tpu.enqueue_indirect_dma source(%dma_start3A_120 : memref<10240x128xbf16, #tpu.memory_space<hbm>>) target(%arg15 : memref<128x128xbf16, #tpu.memory_space<vmem>>) offsets(%dma_start3A_117 : memref<128xi32, #tpu.memory_space<vmem>>) semaphore(%arg20 : memref<!tpu.dma_semaphore, #tpu.memory_space<semaphore_mem>>)
        %add3A_121 = arith.constant 2 : i32
        %add3A_122 = arith.addi %mul3A_75, %add3A_121 : i32
        %dma_wait3A_123 = arith.constant 0 : i32
        %dma_wait3A_124 = tpu.memref_slice %arg12[%add3A_122, %dma_wait3A_123] : memref<79x128xi32, #tpu.memory_space<vmem>> -> memref<1x128xi32, #tpu.memory_space<vmem>>
        %dma_wait3A_125 = tpu.memref_squeeze %dma_wait3A_124 : memref<1x128xi32, #tpu.memory_space<vmem>> -> memref<128xi32, #tpu.memory_space<vmem>>
        %dma_wait3A_126 = arith.constant 0 : i32
        %dma_wait3A_127 = arith.constant 0 : i32
        %dma_wait3A_128 = tpu.memref_slice %arg6[%dma_wait3A_126, %dma_wait3A_127] : memref<10240x128xbf16, #tpu.memory_space<hbm>> -> memref<10240x128xbf16, #tpu.memory_space<hbm>>
        tpu.wait_indirect_dma semaphore(%arg21 : memref<!tpu.dma_semaphore, #tpu.memory_space<semaphore_mem>>) src(%dma_wait3A_128 : memref<10240x128xbf16, #tpu.memory_space<hbm>>) dst(%arg16 : memref<128x128xbf16, #tpu.memory_space<vmem>>)
        "tpu.region"() ({
          %run_scoped3A_148 = tpu.sem_alloc : memref<!tpu.dma_semaphore, #tpu.memory_space<semaphore_mem>>
          %dma_start3A_149 = arith.constant 0 : i32
          %dma_start3A_150 = tpu.memref_slice %arg13[%add3A_122, %dma_start3A_149] : memref<79x128xi32, #tpu.memory_space<vmem>> -> memref<1x128xi32, #tpu.memory_space<vmem>>
          %dma_start3A_151 = tpu.memref_squeeze %dma_start3A_150 : memref<1x128xi32, #tpu.memory_space<vmem>> -> memref<128xi32, #tpu.memory_space<vmem>>
          %dma_start3A_152 = arith.constant 0 : i32
          %dma_start3A_153 = arith.constant 0 : i32
          %dma_start3A_154 = tpu.memref_slice %arg18[%dma_start3A_152, %dma_start3A_153] : memref<10240x128xbf16, #tpu.memory_space<vmem_shared>> -> memref<10240x128xbf16, #tpu.memory_space<vmem_shared>>
          tpu.enqueue_indirect_dma source(%arg16 : memref<128x128xbf16, #tpu.memory_space<vmem>>) target(%dma_start3A_154 : memref<10240x128xbf16, #tpu.memory_space<vmem_shared>>) offsets(%dma_start3A_151 : memref<128xi32, #tpu.memory_space<vmem>>) semaphore(%run_scoped3A_148 : memref<!tpu.dma_semaphore, #tpu.memory_space<semaphore_mem>>) {add = true}
          %dma_wait3A_155 = arith.constant 0 : i32
          %dma_wait3A_156 = tpu.memref_slice %arg13[%add3A_122, %dma_wait3A_155] : memref<79x128xi32, #tpu.memory_space<vmem>> -> memref<1x128xi32, #tpu.memory_space<vmem>>
          %dma_wait3A_157 = tpu.memref_squeeze %dma_wait3A_156 : memref<1x128xi32, #tpu.memory_space<vmem>> -> memref<128xi32, #tpu.memory_space<vmem>>
          %dma_wait3A_158 = arith.constant 0 : i32
          %dma_wait3A_159 = arith.constant 0 : i32
          %dma_wait3A_160 = tpu.memref_slice %arg18[%dma_wait3A_158, %dma_wait3A_159] : memref<10240x128xbf16, #tpu.memory_space<vmem_shared>> -> memref<10240x128xbf16, #tpu.memory_space<vmem_shared>>
          tpu.wait_indirect_dma semaphore(%run_scoped3A_148 : memref<!tpu.dma_semaphore, #tpu.memory_space<semaphore_mem>>) src(%arg16 : memref<128x128xbf16, #tpu.memory_space<vmem>>) dst(%dma_wait3A_160 : memref<10240x128xbf16, #tpu.memory_space<vmem_shared>>)
          tpu.yield
        }) : () -> ()
        %add3A_129 = arith.constant 3 : i32
        %add3A_130 = arith.addi %mul3A_75, %add3A_129 : i32
        %add3A_131 = arith.constant 3 : i32
        %add3A_132 = arith.addi %add3A_130, %add3A_131 : i32
        %dma_start3A_133 = arith.constant 0 : i32
        %dma_start3A_134 = tpu.memref_slice %arg12[%add3A_132, %dma_start3A_133] : memref<79x128xi32, #tpu.memory_space<vmem>> -> memref<1x128xi32, #tpu.memory_space<vmem>>
        %dma_start3A_135 = tpu.memref_squeeze %dma_start3A_134 : memref<1x128xi32, #tpu.memory_space<vmem>> -> memref<128xi32, #tpu.memory_space<vmem>>
        %dma_start3A_136 = arith.constant 0 : i32
        %dma_start3A_137 = arith.constant 0 : i32
        %dma_start3A_138 = tpu.memref_slice %arg6[%dma_start3A_136, %dma_start3A_137] : memref<10240x128xbf16, #tpu.memory_space<hbm>> -> memref<10240x128xbf16, #tpu.memory_space<hbm>>
        tpu.enqueue_indirect_dma source(%dma_start3A_138 : memref<10240x128xbf16, #tpu.memory_space<hbm>>) target(%arg16 : memref<128x128xbf16, #tpu.memory_space<vmem>>) offsets(%dma_start3A_135 : memref<128xi32, #tpu.memory_space<vmem>>) semaphore(%arg21 : memref<!tpu.dma_semaphore, #tpu.memory_space<semaphore_mem>>)
        %add3A_139 = arith.constant 3 : i32
        %add3A_140 = arith.addi %mul3A_75, %add3A_139 : i32
        %dma_wait3A_141 = arith.constant 0 : i32
        %dma_wait3A_142 = tpu.memref_slice %arg12[%add3A_140, %dma_wait3A_141] : memref<79x128xi32, #tpu.memory_space<vmem>> -> memref<1x128xi32, #tpu.memory_space<vmem>>
        %dma_wait3A_143 = tpu.memref_squeeze %dma_wait3A_142 : memref<1x128xi32, #tpu.memory_space<vmem>> -> memref<128xi32, #tpu.memory_space<vmem>>
        %dma_wait3A_144 = arith.constant 0 : i32
        %dma_wait3A_145 = arith.constant 0 : i32
        %dma_wait3A_146 = tpu.memref_slice %arg6[%dma_wait3A_144, %dma_wait3A_145] : memref<10240x128xbf16, #tpu.memory_space<hbm>> -> memref<10240x128xbf16, #tpu.memory_space<hbm>>
        tpu.wait_indirect_dma semaphore(%arg22 : memref<!tpu.dma_semaphore, #tpu.memory_space<semaphore_mem>>) src(%dma_wait3A_146 : memref<10240x128xbf16, #tpu.memory_space<hbm>>) dst(%arg17 : memref<128x128xbf16, #tpu.memory_space<vmem>>)
        "tpu.region"() ({
          %run_scoped3A_148 = tpu.sem_alloc : memref<!tpu.dma_semaphore, #tpu.memory_space<semaphore_mem>>
          %dma_start3A_149 = arith.constant 0 : i32
          %dma_start3A_150 = tpu.memref_slice %arg13[%add3A_140, %dma_start3A_149] : memref<79x128xi32, #tpu.memory_space<vmem>> -> memref<1x128xi32, #tpu.memory_space<vmem>>
          %dma_start3A_151 = tpu.memref_squeeze %dma_start3A_150 : memref<1x128xi32, #tpu.memory_space<vmem>> -> memref<128xi32, #tpu.memory_space<vmem>>
          %dma_start3A_152 = arith.constant 0 : i32
          %dma_start3A_153 = arith.constant 0 : i32
          %dma_start3A_154 = tpu.memref_slice %arg18[%dma_start3A_152, %dma_start3A_153] : memref<10240x128xbf16, #tpu.memory_space<vmem_shared>> -> memref<10240x128xbf16, #tpu.memory_space<vmem_shared>>
          tpu.enqueue_indirect_dma source(%arg17 : memref<128x128xbf16, #tpu.memory_space<vmem>>) target(%dma_start3A_154 : memref<10240x128xbf16, #tpu.memory_space<vmem_shared>>) offsets(%dma_start3A_151 : memref<128xi32, #tpu.memory_space<vmem>>) semaphore(%run_scoped3A_148 : memref<!tpu.dma_semaphore, #tpu.memory_space<semaphore_mem>>) {add = true}
          %dma_wait3A_155 = arith.constant 0 : i32
          %dma_wait3A_156 = tpu.memref_slice %arg13[%add3A_140, %dma_wait3A_155] : memref<79x128xi32, #tpu.memory_space<vmem>> -> memref<1x128xi32, #tpu.memory_space<vmem>>
          %dma_wait3A_157 = tpu.memref_squeeze %dma_wait3A_156 : memref<1x128xi32, #tpu.memory_space<vmem>> -> memref<128xi32, #tpu.memory_space<vmem>>
          %dma_wait3A_158 = arith.constant 0 : i32
          %dma_wait3A_159 = arith.constant 0 : i32
          %dma_wait3A_160 = tpu.memref_slice %arg18[%dma_wait3A_158, %dma_wait3A_159] : memref<10240x128xbf16, #tpu.memory_space<vmem_shared>> -> memref<10240x128xbf16, #tpu.memory_space<vmem_shared>>
          tpu.wait_indirect_dma semaphore(%run_scoped3A_148 : memref<!tpu.dma_semaphore, #tpu.memory_space<semaphore_mem>>) src(%arg17 : memref<128x128xbf16, #tpu.memory_space<vmem>>) dst(%dma_wait3A_160 : memref<10240x128xbf16, #tpu.memory_space<vmem_shared>>)
          tpu.yield
        }) : () -> ()
        %scan3A_147 = arith.constant 0 : i32
        scf.yield %scan3A_147 : i32
      }
      %scan3A_49 = arith.constant 19 : i32
      %dma_wait3A = arith.constant 76 : i32
      %dma_wait3A_50 = arith.constant 0 : i32
      %dma_wait3A_51 = tpu.memref_slice %arg12[%dma_wait3A, %dma_wait3A_50] : memref<79x128xi32, #tpu.memory_space<vmem>> -> memref<1x128xi32, #tpu.memory_space<vmem>>
      %dma_wait3A_52 = tpu.memref_squeeze %dma_wait3A_51 : memref<1x128xi32, #tpu.memory_space<vmem>> -> memref<128xi32, #tpu.memory_space<vmem>>
      %dma_wait3A_53 = arith.constant 0 : i32
      %dma_wait3A_54 = arith.constant 0 : i32
      %dma_wait3A_55 = tpu.memref_slice %arg6[%dma_wait3A_53, %dma_wait3A_54] : memref<10240x128xbf16, #tpu.memory_space<hbm>> -> memref<10240x128xbf16, #tpu.memory_space<hbm>>
      tpu.wait_indirect_dma semaphore(%arg19 : memref<!tpu.dma_semaphore, #tpu.memory_space<semaphore_mem>>) src(%dma_wait3A_55 : memref<10240x128xbf16, #tpu.memory_space<hbm>>) dst(%arg14 : memref<128x128xbf16, #tpu.memory_space<vmem>>)
      %run_scoped3A = arith.constant 76 : i32
      "tpu.region"() ({
        %run_scoped3A_72 = tpu.sem_alloc : memref<!tpu.dma_semaphore, #tpu.memory_space<semaphore_mem>>
        %dma_start3A_73 = arith.constant 0 : i32
        %dma_start3A_74 = tpu.memref_slice %arg13[%run_scoped3A, %dma_start3A_73] : memref<79x128xi32, #tpu.memory_space<vmem>> -> memref<1x128xi32, #tpu.memory_space<vmem>>
        %dma_start3A_75 = tpu.memref_squeeze %dma_start3A_74 : memref<1x128xi32, #tpu.memory_space<vmem>> -> memref<128xi32, #tpu.memory_space<vmem>>
        %dma_start3A_76 = arith.constant 0 : i32
        %dma_start3A_77 = arith.constant 0 : i32
        %dma_start3A_78 = tpu.memref_slice %arg18[%dma_start3A_76, %dma_start3A_77] : memref<10240x128xbf16, #tpu.memory_space<vmem_shared>> -> memref<10240x128xbf16, #tpu.memory_space<vmem_shared>>
        tpu.enqueue_indirect_dma source(%arg14 : memref<128x128xbf16, #tpu.memory_space<vmem>>) target(%dma_start3A_78 : memref<10240x128xbf16, #tpu.memory_space<vmem_shared>>) offsets(%dma_start3A_75 : memref<128xi32, #tpu.memory_space<vmem>>) semaphore(%run_scoped3A_72 : memref<!tpu.dma_semaphore, #tpu.memory_space<semaphore_mem>>) {add = true}
        %dma_wait3A_79 = arith.constant 0 : i32
        %dma_wait3A_80 = tpu.memref_slice %arg13[%run_scoped3A, %dma_wait3A_79] : memref<79x128xi32, #tpu.memory_space<vmem>> -> memref<1x128xi32, #tpu.memory_space<vmem>>
        %dma_wait3A_81 = tpu.memref_squeeze %dma_wait3A_80 : memref<1x128xi32, #tpu.memory_space<vmem>> -> memref<128xi32, #tpu.memory_space<vmem>>
        %dma_wait3A_82 = arith.constant 0 : i32
        %dma_wait3A_83 = arith.constant 0 : i32
        %dma_wait3A_84 = tpu.memref_slice %arg18[%dma_wait3A_82, %dma_wait3A_83] : memref<10240x128xbf16, #tpu.memory_space<vmem_shared>> -> memref<10240x128xbf16, #tpu.memory_space<vmem_shared>>
        tpu.wait_indirect_dma semaphore(%run_scoped3A_72 : memref<!tpu.dma_semaphore, #tpu.memory_space<semaphore_mem>>) src(%arg14 : memref<128x128xbf16, #tpu.memory_space<vmem>>) dst(%dma_wait3A_84 : memref<10240x128xbf16, #tpu.memory_space<vmem_shared>>)
        tpu.yield
      }) : () -> ()
      %dma_wait3A_56 = arith.constant 77 : i32
      %dma_wait3A_57 = arith.constant 0 : i32
      %dma_wait3A_58 = tpu.memref_slice %arg12[%dma_wait3A_56, %dma_wait3A_57] : memref<79x128xi32, #tpu.memory_space<vmem>> -> memref<1x128xi32, #tpu.memory_space<vmem>>
      %dma_wait3A_59 = tpu.memref_squeeze %dma_wait3A_58 : memref<1x128xi32, #tpu.memory_space<vmem>> -> memref<128xi32, #tpu.memory_space<vmem>>
      %dma_wait3A_60 = arith.constant 0 : i32
      %dma_wait3A_61 = arith.constant 0 : i32
      %dma_wait3A_62 = tpu.memref_slice %arg6[%dma_wait3A_60, %dma_wait3A_61] : memref<10240x128xbf16, #tpu.memory_space<hbm>> -> memref<10240x128xbf16, #tpu.memory_space<hbm>>
      tpu.wait_indirect_dma semaphore(%arg20 : memref<!tpu.dma_semaphore, #tpu.memory_space<semaphore_mem>>) src(%dma_wait3A_62 : memref<10240x128xbf16, #tpu.memory_space<hbm>>) dst(%arg15 : memref<128x128xbf16, #tpu.memory_space<vmem>>)
      %run_scoped3A_63 = arith.constant 77 : i32
      "tpu.region"() ({
        %run_scoped3A_72 = tpu.sem_alloc : memref<!tpu.dma_semaphore, #tpu.memory_space<semaphore_mem>>
        %dma_start3A_73 = arith.constant 0 : i32
        %dma_start3A_74 = tpu.memref_slice %arg13[%run_scoped3A_63, %dma_start3A_73] : memref<79x128xi32, #tpu.memory_space<vmem>> -> memref<1x128xi32, #tpu.memory_space<vmem>>
        %dma_start3A_75 = tpu.memref_squeeze %dma_start3A_74 : memref<1x128xi32, #tpu.memory_space<vmem>> -> memref<128xi32, #tpu.memory_space<vmem>>
        %dma_start3A_76 = arith.constant 0 : i32
        %dma_start3A_77 = arith.constant 0 : i32
        %dma_start3A_78 = tpu.memref_slice %arg18[%dma_start3A_76, %dma_start3A_77] : memref<10240x128xbf16, #tpu.memory_space<vmem_shared>> -> memref<10240x128xbf16, #tpu.memory_space<vmem_shared>>
        tpu.enqueue_indirect_dma source(%arg15 : memref<128x128xbf16, #tpu.memory_space<vmem>>) target(%dma_start3A_78 : memref<10240x128xbf16, #tpu.memory_space<vmem_shared>>) offsets(%dma_start3A_75 : memref<128xi32, #tpu.memory_space<vmem>>) semaphore(%run_scoped3A_72 : memref<!tpu.dma_semaphore, #tpu.memory_space<semaphore_mem>>) {add = true}
        %dma_wait3A_79 = arith.constant 0 : i32
        %dma_wait3A_80 = tpu.memref_slice %arg13[%run_scoped3A_63, %dma_wait3A_79] : memref<79x128xi32, #tpu.memory_space<vmem>> -> memref<1x128xi32, #tpu.memory_space<vmem>>
        %dma_wait3A_81 = tpu.memref_squeeze %dma_wait3A_80 : memref<1x128xi32, #tpu.memory_space<vmem>> -> memref<128xi32, #tpu.memory_space<vmem>>
        %dma_wait3A_82 = arith.constant 0 : i32
        %dma_wait3A_83 = arith.constant 0 : i32
        %dma_wait3A_84 = tpu.memref_slice %arg18[%dma_wait3A_82, %dma_wait3A_83] : memref<10240x128xbf16, #tpu.memory_space<vmem_shared>> -> memref<10240x128xbf16, #tpu.memory_space<vmem_shared>>
        tpu.wait_indirect_dma semaphore(%run_scoped3A_72 : memref<!tpu.dma_semaphore, #tpu.memory_space<semaphore_mem>>) src(%arg15 : memref<128x128xbf16, #tpu.memory_space<vmem>>) dst(%dma_wait3A_84 : memref<10240x128xbf16, #tpu.memory_space<vmem_shared>>)
        tpu.yield
      }) : () -> ()
      %dma_wait3A_64 = arith.constant 78 : i32
      %dma_wait3A_65 = arith.constant 0 : i32
      %dma_wait3A_66 = tpu.memref_slice %arg12[%dma_wait3A_64, %dma_wait3A_65] : memref<79x128xi32, #tpu.memory_space<vmem>> -> memref<1x128xi32, #tpu.memory_space<vmem>>
      %dma_wait3A_67 = tpu.memref_squeeze %dma_wait3A_66 : memref<1x128xi32, #tpu.memory_space<vmem>> -> memref<128xi32, #tpu.memory_space<vmem>>
      %dma_wait3A_68 = arith.constant 0 : i32
      %dma_wait3A_69 = arith.constant 0 : i32
      %dma_wait3A_70 = tpu.memref_slice %arg6[%dma_wait3A_68, %dma_wait3A_69] : memref<10240x128xbf16, #tpu.memory_space<hbm>> -> memref<10240x128xbf16, #tpu.memory_space<hbm>>
      tpu.wait_indirect_dma semaphore(%arg21 : memref<!tpu.dma_semaphore, #tpu.memory_space<semaphore_mem>>) src(%dma_wait3A_70 : memref<10240x128xbf16, #tpu.memory_space<hbm>>) dst(%arg16 : memref<128x128xbf16, #tpu.memory_space<vmem>>)
      %run_scoped3A_71 = arith.constant 78 : i32
      "tpu.region"() ({
        %run_scoped3A_72 = tpu.sem_alloc : memref<!tpu.dma_semaphore, #tpu.memory_space<semaphore_mem>>
        %dma_start3A_73 = arith.constant 0 : i32
        %dma_start3A_74 = tpu.memref_slice %arg13[%run_scoped3A_71, %dma_start3A_73] : memref<79x128xi32, #tpu.memory_space<vmem>> -> memref<1x128xi32, #tpu.memory_space<vmem>>
        %dma_start3A_75 = tpu.memref_squeeze %dma_start3A_74 : memref<1x128xi32, #tpu.memory_space<vmem>> -> memref<128xi32, #tpu.memory_space<vmem>>
        %dma_start3A_76 = arith.constant 0 : i32
        %dma_start3A_77 = arith.constant 0 : i32
        %dma_start3A_78 = tpu.memref_slice %arg18[%dma_start3A_76, %dma_start3A_77] : memref<10240x128xbf16, #tpu.memory_space<vmem_shared>> -> memref<10240x128xbf16, #tpu.memory_space<vmem_shared>>
        tpu.enqueue_indirect_dma source(%arg16 : memref<128x128xbf16, #tpu.memory_space<vmem>>) target(%dma_start3A_78 : memref<10240x128xbf16, #tpu.memory_space<vmem_shared>>) offsets(%dma_start3A_75 : memref<128xi32, #tpu.memory_space<vmem>>) semaphore(%run_scoped3A_72 : memref<!tpu.dma_semaphore, #tpu.memory_space<semaphore_mem>>) {add = true}
        %dma_wait3A_79 = arith.constant 0 : i32
        %dma_wait3A_80 = tpu.memref_slice %arg13[%run_scoped3A_71, %dma_wait3A_79] : memref<79x128xi32, #tpu.memory_space<vmem>> -> memref<1x128xi32, #tpu.memory_space<vmem>>
        %dma_wait3A_81 = tpu.memref_squeeze %dma_wait3A_80 : memref<1x128xi32, #tpu.memory_space<vmem>> -> memref<128xi32, #tpu.memory_space<vmem>>
        %dma_wait3A_82 = arith.constant 0 : i32
        %dma_wait3A_83 = arith.constant 0 : i32
        %dma_wait3A_84 = tpu.memref_slice %arg18[%dma_wait3A_82, %dma_wait3A_83] : memref<10240x128xbf16, #tpu.memory_space<vmem_shared>> -> memref<10240x128xbf16, #tpu.memory_space<vmem_shared>>
        tpu.wait_indirect_dma semaphore(%run_scoped3A_72 : memref<!tpu.dma_semaphore, #tpu.memory_space<semaphore_mem>>) src(%arg16 : memref<128x128xbf16, #tpu.memory_space<vmem>>) dst(%dma_wait3A_84 : memref<10240x128xbf16, #tpu.memory_space<vmem_shared>>)
        tpu.yield
      }) : () -> ()
    } else {
    }
    %barrier3A_13 = arith.constant 0 : index
    tpu.barrier barrier_id(%barrier3A_13)
    %eq3A_14 = arith.constant 0 : i32
    %eq3A_15 = arith.cmpi eq, %arg0, %eq3A_14 : i32
    %convert_element_type3A_16 = arith.extui %eq3A_15 : i1 to i32
    %cond3A_17 = arith.constant 0 : i32
    %cond3A_18 = arith.cmpi ne, %convert_element_type3A_16, %cond3A_17 : i32
    scf.if %cond3A_18 {
      "tpu.region"() ({
        %run_scoped3A = tpu.sem_alloc : memref<!tpu.dma_semaphore, #tpu.memory_space<semaphore_mem>>
        %dma_start3A = arith.constant 0 : i32
        %dma_start3A_24 = tpu.memref_slice %arg9[%mul3A_0, %dma_start3A] : memref<10240x128xbf16, #tpu.memory_space<hbm>> -> memref<640x128xbf16, #tpu.memory_space<hbm>>
        %dma_start3A_25 = arith.constant 0 : i32
        %dma_start3A_26 = tpu.memref_slice %arg18[%mul3A_0, %dma_start3A_25] : memref<10240x128xbf16, #tpu.memory_space<vmem_shared>> -> memref<640x128xbf16, #tpu.memory_space<vmem_shared>>
        tpu.enqueue_dma source(%dma_start3A_26 : memref<640x128xbf16, #tpu.memory_space<vmem_shared>>) target(%dma_start3A_24 : memref<640x128xbf16, #tpu.memory_space<hbm>>) target_semaphore(%run_scoped3A : memref<!tpu.dma_semaphore, #tpu.memory_space<semaphore_mem>>)
        %dma_wait3A = arith.constant 0 : i32
        %dma_wait3A_27 = tpu.memref_slice %arg9[%mul3A_0, %dma_wait3A] : memref<10240x128xbf16, #tpu.memory_space<hbm>> -> memref<640x128xbf16, #tpu.memory_space<hbm>>
        %dma_wait3A_28 = arith.constant 0 : i32
        %dma_wait3A_29 = tpu.memref_slice %arg18[%mul3A_0, %dma_wait3A_28] : memref<10240x128xbf16, #tpu.memory_space<vmem_shared>> -> memref<640x128xbf16, #tpu.memory_space<vmem_shared>>
        tpu.wait_dma2 semaphore(%run_scoped3A : memref<!tpu.dma_semaphore, #tpu.memory_space<semaphore_mem>>) src(%dma_wait3A_29 : memref<640x128xbf16, #tpu.memory_space<vmem_shared>>) dst(%dma_wait3A_27 : memref<640x128xbf16, #tpu.memory_space<hbm>>)
        tpu.yield
      }) : () -> ()
    } else {
    }
    %eq3A_19 = arith.constant 1 : i32
    %eq3A_20 = arith.cmpi eq, %arg0, %eq3A_19 : i32
    %convert_element_type3A_21 = arith.extui %eq3A_20 : i1 to i32
    %cond3A_22 = arith.constant 0 : i32
    %cond3A_23 = arith.cmpi ne, %convert_element_type3A_21, %cond3A_22 : i32
    scf.if %cond3A_23 {
      "tpu.region"() ({
        %run_scoped3A = tpu.sem_alloc : memref<!tpu.dma_semaphore, #tpu.memory_space<semaphore_mem>>
        %dma_start3A = arith.constant 0 : i32
        %dma_start3A_24 = tpu.memref_slice %arg10[%mul3A_0, %dma_start3A] : memref<10240x128xbf16, #tpu.memory_space<hbm>> -> memref<640x128xbf16, #tpu.memory_space<hbm>>
        %dma_start3A_25 = arith.constant 0 : i32
        %dma_start3A_26 = tpu.memref_slice %arg18[%mul3A_0, %dma_start3A_25] : memref<10240x128xbf16, #tpu.memory_space<vmem_shared>> -> memref<640x128xbf16, #tpu.memory_space<vmem_shared>>
        tpu.enqueue_dma source(%dma_start3A_26 : memref<640x128xbf16, #tpu.memory_space<vmem_shared>>) target(%dma_start3A_24 : memref<640x128xbf16, #tpu.memory_space<hbm>>) target_semaphore(%run_scoped3A : memref<!tpu.dma_semaphore, #tpu.memory_space<semaphore_mem>>)
        %dma_wait3A = arith.constant 0 : i32
        %dma_wait3A_27 = tpu.memref_slice %arg10[%mul3A_0, %dma_wait3A] : memref<10240x128xbf16, #tpu.memory_space<hbm>> -> memref<640x128xbf16, #tpu.memory_space<hbm>>
        %dma_wait3A_28 = arith.constant 0 : i32
        %dma_wait3A_29 = tpu.memref_slice %arg18[%mul3A_0, %dma_wait3A_28] : memref<10240x128xbf16, #tpu.memory_space<vmem_shared>> -> memref<640x128xbf16, #tpu.memory_space<vmem_shared>>
        tpu.wait_dma2 semaphore(%run_scoped3A : memref<!tpu.dma_semaphore, #tpu.memory_space<semaphore_mem>>) src(%dma_wait3A_29 : memref<640x128xbf16, #tpu.memory_space<vmem_shared>>) dst(%dma_wait3A_27 : memref<640x128xbf16, #tpu.memory_space<hbm>>)
        tpu.yield
      }) : () -> ()
    } else {
    }
    return
  }
}

module attributes {stable_mosaic.version = 14 : i64} {
  func.func @_tc_body(%arg0: i32, %arg1: memref<4x640x128xbf16, #tpu.memory_space<vmem>>, %arg2: memref<4x640x128xbf16, #tpu.memory_space<vmem>>, %arg3: memref<4x640x128xbf16, #tpu.memory_space<vmem>>, %arg4: memref<4x640x128xbf16, #tpu.memory_space<vmem>>, %arg5: memref<256x768xbf16, #tpu.memory_space<vmem>>, %arg6: memref<256x768xbf16, #tpu.memory_space<vmem>>, %arg7: memref<256x256xf32, #tpu.memory_space<vmem>>, %arg8: memref<256x256xf32, #tpu.memory_space<vmem>>, %arg9: memref<1x256xf32, #tpu.memory_space<vmem>>, %arg10: memref<256x256xf32, #tpu.memory_space<vmem>>, %arg11: memref<1x256xf32, #tpu.memory_space<vmem>>, %arg12: memref<512x256xf32, #tpu.memory_space<vmem>>, %arg13: memref<256x128xf32, #tpu.memory_space<vmem>>, %arg14: memref<128x513xf32, #tpu.memory_space<vmem>>, %arg15: memref<16x513xf32, #tpu.memory_space<vmem>>, %arg16: memref<16x512xf32, #tpu.memory_space<vmem>>) attributes {dimension_semantics = [#tpu.dimension_semantics<arbitrary>], iteration_bounds = array<i64: 5>, scalar_prefetch = 0 : i64, scratch_operands = 1 : i64, tpu.core_type = #tpu.core_type<tc>, window_params = [{transform_indices = @transform_0, window_bounds = array<i64: 4, 640, 128>}, {transform_indices = @transform_1, window_bounds = array<i64: 4, 640, 128>}, {transform_indices = @transform_2, window_bounds = array<i64: 4, 640, 128>}, {transform_indices = @transform_3, window_bounds = array<i64: 4, 640, 128>}, {pipeline_mode = #tpu.pipeline_mode<synchronous>, transform_indices = @transform_4, window_bounds = array<i64: 256, 768>}, {pipeline_mode = #tpu.pipeline_mode<synchronous>, transform_indices = @transform_5, window_bounds = array<i64: 256, 768>}, {pipeline_mode = #tpu.pipeline_mode<synchronous>, transform_indices = @transform_6, window_bounds = array<i64: 256, 256>}, {pipeline_mode = #tpu.pipeline_mode<synchronous>, transform_indices = @transform_7, window_bounds = array<i64: 256, 256>}, {pipeline_mode = #tpu.pipeline_mode<synchronous>, transform_indices = @transform_8, window_bounds = array<i64: 1, 256>}, {pipeline_mode = #tpu.pipeline_mode<synchronous>, transform_indices = @transform_9, window_bounds = array<i64: 256, 256>}, {pipeline_mode = #tpu.pipeline_mode<synchronous>, transform_indices = @transform_10, window_bounds = array<i64: 1, 256>}, {pipeline_mode = #tpu.pipeline_mode<synchronous>, transform_indices = @transform_11, window_bounds = array<i64: 512, 256>}, {pipeline_mode = #tpu.pipeline_mode<synchronous>, transform_indices = @transform_12, window_bounds = array<i64: 256, 128>}, {pipeline_mode = #tpu.pipeline_mode<synchronous>, transform_indices = @transform_13, window_bounds = array<i64: 128, 513>}, {pipeline_mode = #tpu.pipeline_mode<synchronous>, transform_indices = @transform_14, window_bounds = array<i64: 16, 513>}]} {
    %lt3A = arith.constant 4 : i32
    %lt3A_0 = arith.cmpi slt, %arg0, %lt3A : i32
    %convert_element_type3A = arith.extui %lt3A_0 : i1 to i32
    %cond3A = arith.constant 0 : i32
    %cond3A_1 = arith.cmpi ne, %convert_element_type3A, %cond3A : i32
    scf.if %cond3A_1 {
      %get3A = arith.constant 0 : index
      %get3A_6 = arith.constant 0 : index
      %get3A_7 = arith.constant 0 : index
      %get3A_8 = vector.load %arg1[%get3A, %get3A_6, %get3A_7] : memref<4x640x128xbf16, #tpu.memory_space<vmem>>, vector<1x640x128xbf16>
      %get3A_9 = vector.shape_cast %get3A_8 : vector<1x640x128xbf16> to vector<640x128xbf16>
      %get3A_10 = arith.constant 1 : index
      %get3A_11 = arith.constant 0 : index
      %get3A_12 = arith.constant 0 : index
      %get3A_13 = vector.load %arg1[%get3A_10, %get3A_11, %get3A_12] : memref<4x640x128xbf16, #tpu.memory_space<vmem>>, vector<1x640x128xbf16>
      %get3A_14 = vector.shape_cast %get3A_13 : vector<1x640x128xbf16> to vector<640x128xbf16>
      %get3A_15 = arith.constant 2 : index
      %get3A_16 = arith.constant 0 : index
      %get3A_17 = arith.constant 0 : index
      %get3A_18 = vector.load %arg1[%get3A_15, %get3A_16, %get3A_17] : memref<4x640x128xbf16, #tpu.memory_space<vmem>>, vector<1x640x128xbf16>
      %get3A_19 = vector.shape_cast %get3A_18 : vector<1x640x128xbf16> to vector<640x128xbf16>
      %get3A_20 = arith.constant 3 : index
      %get3A_21 = arith.constant 0 : index
      %get3A_22 = arith.constant 0 : index
      %get3A_23 = vector.load %arg1[%get3A_20, %get3A_21, %get3A_22] : memref<4x640x128xbf16, #tpu.memory_space<vmem>>, vector<1x640x128xbf16>
      %get3A_24 = vector.shape_cast %get3A_23 : vector<1x640x128xbf16> to vector<640x128xbf16>
      %concatenate3A = tpu.concatenate %get3A_9, %get3A_14, %get3A_19, %get3A_24 in 0 : vector<640x128xbf16>, vector<640x128xbf16>, vector<640x128xbf16>, vector<640x128xbf16> -> vector<2560x128xbf16>
      %get3A_25 = arith.constant 0 : index
      %get3A_26 = arith.constant 0 : index
      %get3A_27 = arith.constant 0 : index
      %get3A_28 = vector.load %arg2[%get3A_25, %get3A_26, %get3A_27] : memref<4x640x128xbf16, #tpu.memory_space<vmem>>, vector<1x640x128xbf16>
      %get3A_29 = vector.shape_cast %get3A_28 : vector<1x640x128xbf16> to vector<640x128xbf16>
      %get3A_30 = arith.constant 1 : index
      %get3A_31 = arith.constant 0 : index
      %get3A_32 = arith.constant 0 : index
      %get3A_33 = vector.load %arg2[%get3A_30, %get3A_31, %get3A_32] : memref<4x640x128xbf16, #tpu.memory_space<vmem>>, vector<1x640x128xbf16>
      %get3A_34 = vector.shape_cast %get3A_33 : vector<1x640x128xbf16> to vector<640x128xbf16>
      %get3A_35 = arith.constant 2 : index
      %get3A_36 = arith.constant 0 : index
      %get3A_37 = arith.constant 0 : index
      %get3A_38 = vector.load %arg2[%get3A_35, %get3A_36, %get3A_37] : memref<4x640x128xbf16, #tpu.memory_space<vmem>>, vector<1x640x128xbf16>
      %get3A_39 = vector.shape_cast %get3A_38 : vector<1x640x128xbf16> to vector<640x128xbf16>
      %get3A_40 = arith.constant 3 : index
      %get3A_41 = arith.constant 0 : index
      %get3A_42 = arith.constant 0 : index
      %get3A_43 = vector.load %arg2[%get3A_40, %get3A_41, %get3A_42] : memref<4x640x128xbf16, #tpu.memory_space<vmem>>, vector<1x640x128xbf16>
      %get3A_44 = vector.shape_cast %get3A_43 : vector<1x640x128xbf16> to vector<640x128xbf16>
      %concatenate3A_45 = tpu.concatenate %get3A_29, %get3A_34, %get3A_39, %get3A_44 in 0 : vector<640x128xbf16>, vector<640x128xbf16>, vector<640x128xbf16>, vector<640x128xbf16> -> vector<2560x128xbf16>
      %get3A_46 = arith.constant 0 : index
      %get3A_47 = arith.constant 0 : index
      %get3A_48 = arith.constant 0 : index
      %get3A_49 = vector.load %arg3[%get3A_46, %get3A_47, %get3A_48] : memref<4x640x128xbf16, #tpu.memory_space<vmem>>, vector<1x640x128xbf16>
      %get3A_50 = vector.shape_cast %get3A_49 : vector<1x640x128xbf16> to vector<640x128xbf16>
      %get3A_51 = arith.constant 1 : index
      %get3A_52 = arith.constant 0 : index
      %get3A_53 = arith.constant 0 : index
      %get3A_54 = vector.load %arg3[%get3A_51, %get3A_52, %get3A_53] : memref<4x640x128xbf16, #tpu.memory_space<vmem>>, vector<1x640x128xbf16>
      %get3A_55 = vector.shape_cast %get3A_54 : vector<1x640x128xbf16> to vector<640x128xbf16>
      %get3A_56 = arith.constant 2 : index
      %get3A_57 = arith.constant 0 : index
      %get3A_58 = arith.constant 0 : index
      %get3A_59 = vector.load %arg3[%get3A_56, %get3A_57, %get3A_58] : memref<4x640x128xbf16, #tpu.memory_space<vmem>>, vector<1x640x128xbf16>
      %get3A_60 = vector.shape_cast %get3A_59 : vector<1x640x128xbf16> to vector<640x128xbf16>
      %get3A_61 = arith.constant 3 : index
      %get3A_62 = arith.constant 0 : index
      %get3A_63 = arith.constant 0 : index
      %get3A_64 = vector.load %arg3[%get3A_61, %get3A_62, %get3A_63] : memref<4x640x128xbf16, #tpu.memory_space<vmem>>, vector<1x640x128xbf16>
      %get3A_65 = vector.shape_cast %get3A_64 : vector<1x640x128xbf16> to vector<640x128xbf16>
      %concatenate3A_66 = tpu.concatenate %get3A_50, %get3A_55, %get3A_60, %get3A_65 in 0 : vector<640x128xbf16>, vector<640x128xbf16>, vector<640x128xbf16>, vector<640x128xbf16> -> vector<2560x128xbf16>
      %get3A_67 = arith.constant 0 : index
      %get3A_68 = arith.constant 0 : index
      %get3A_69 = arith.constant 0 : index
      %get3A_70 = vector.load %arg4[%get3A_67, %get3A_68, %get3A_69] : memref<4x640x128xbf16, #tpu.memory_space<vmem>>, vector<1x640x128xbf16>
      %get3A_71 = vector.shape_cast %get3A_70 : vector<1x640x128xbf16> to vector<640x128xbf16>
      %get3A_72 = arith.constant 1 : index
      %get3A_73 = arith.constant 0 : index
      %get3A_74 = arith.constant 0 : index
      %get3A_75 = vector.load %arg4[%get3A_72, %get3A_73, %get3A_74] : memref<4x640x128xbf16, #tpu.memory_space<vmem>>, vector<1x640x128xbf16>
      %get3A_76 = vector.shape_cast %get3A_75 : vector<1x640x128xbf16> to vector<640x128xbf16>
      %get3A_77 = arith.constant 2 : index
      %get3A_78 = arith.constant 0 : index
      %get3A_79 = arith.constant 0 : index
      %get3A_80 = vector.load %arg4[%get3A_77, %get3A_78, %get3A_79] : memref<4x640x128xbf16, #tpu.memory_space<vmem>>, vector<1x640x128xbf16>
      %get3A_81 = vector.shape_cast %get3A_80 : vector<1x640x128xbf16> to vector<640x128xbf16>
      %get3A_82 = arith.constant 3 : index
      %get3A_83 = arith.constant 0 : index
      %get3A_84 = arith.constant 0 : index
      %get3A_85 = vector.load %arg4[%get3A_82, %get3A_83, %get3A_84] : memref<4x640x128xbf16, #tpu.memory_space<vmem>>, vector<1x640x128xbf16>
      %get3A_86 = vector.shape_cast %get3A_85 : vector<1x640x128xbf16> to vector<640x128xbf16>
      %concatenate3A_87 = tpu.concatenate %get3A_71, %get3A_76, %get3A_81, %get3A_86 in 0 : vector<640x128xbf16>, vector<640x128xbf16>, vector<640x128xbf16>, vector<640x128xbf16> -> vector<2560x128xbf16>
      %concatenate3A_88 = tpu.concatenate %concatenate3A, %concatenate3A_45 in 1 : vector<2560x128xbf16>, vector<2560x128xbf16> -> vector<2560x256xbf16>
      %concatenate3A_89 = tpu.concatenate %concatenate3A_66, %concatenate3A_87 in 1 : vector<2560x128xbf16>, vector<2560x128xbf16> -> vector<2560x256xbf16>
      %convert_element_type3A_90 = arith.extf %concatenate3A_89 : vector<2560x256xbf16> to vector<2560x256xf32>
      %get3A_91 = arith.constant 0 : index
      %get3A_92 = arith.constant 0 : index
      %get3A_93 = vector.load %arg5[%get3A_91, %get3A_92] : memref<256x768xbf16, #tpu.memory_space<vmem>>, vector<256x768xbf16>
      %dot_general3A = arith.constant dense<0.000000e+00> : vector<2560x768xf32>
      %dot_general3A_94 = tpu.matmul %concatenate3A_88, %get3A_93, %dot_general3A {dimension_numbers = #tpu.dot_dimension_numbers<[1], [0], [0], [1], [0, 0, 1, 1], [], []>, transpose_lhs_hint = false} : vector<2560x256xbf16>, vector<256x768xbf16>, vector<2560x768xf32> -> vector<2560x768xf32>
      %get3A_95 = arith.constant 0 : index
      %get3A_96 = arith.constant 0 : index
      %get3A_97 = vector.load %arg6[%get3A_95, %get3A_96] : memref<256x768xbf16, #tpu.memory_space<vmem>>, vector<256x768xbf16>
      %dot_general3A_98 = arith.constant dense<0.000000e+00> : vector<2560x768xf32>
      %dot_general3A_99 = tpu.matmul %concatenate3A_89, %get3A_97, %dot_general3A_98 {dimension_numbers = #tpu.dot_dimension_numbers<[1], [0], [0], [1], [0, 0, 1, 1], [], []>, transpose_lhs_hint = false} : vector<2560x256xbf16>, vector<256x768xbf16>, vector<2560x768xf32> -> vector<2560x768xf32>
      %slice3A = vector.extract_strided_slice %dot_general3A_94 {offsets = [0, 0], sizes = [2560, 256], strides = [1, 1]} : vector<2560x768xf32> to vector<2560x256xf32>
      %slice3A_100 = vector.extract_strided_slice %dot_general3A_99 {offsets = [0, 0], sizes = [2560, 256], strides = [1, 1]} : vector<2560x768xf32> to vector<2560x256xf32>
      %add3A = arith.addf %slice3A, %slice3A_100 : vector<2560x256xf32>
      %logistic3A = arith.negf %add3A : vector<2560x256xf32>
      %logistic3A_101 = math.exp %logistic3A : vector<2560x256xf32>
      %logistic3A_102 = arith.constant 1.000000e+00 : f32
      %logistic3A_103 = vector.broadcast %logistic3A_102 : f32 to vector<2560x256xf32>
      %logistic3A_104 = arith.addf %logistic3A_103, %logistic3A_101 : vector<2560x256xf32>
      %logistic3A_105 = arith.divf %logistic3A_103, %logistic3A_104 : vector<2560x256xf32>
      %slice3A_106 = vector.extract_strided_slice %dot_general3A_94 {offsets = [0, 256], sizes = [2560, 256], strides = [1, 1]} : vector<2560x768xf32> to vector<2560x256xf32>
      %slice3A_107 = vector.extract_strided_slice %dot_general3A_99 {offsets = [0, 256], sizes = [2560, 256], strides = [1, 1]} : vector<2560x768xf32> to vector<2560x256xf32>
      %add3A_108 = arith.addf %slice3A_106, %slice3A_107 : vector<2560x256xf32>
      %logistic3A_109 = arith.negf %add3A_108 : vector<2560x256xf32>
      %logistic3A_110 = math.exp %logistic3A_109 : vector<2560x256xf32>
      %logistic3A_111 = arith.constant 1.000000e+00 : f32
      %logistic3A_112 = vector.broadcast %logistic3A_111 : f32 to vector<2560x256xf32>
      %logistic3A_113 = arith.addf %logistic3A_112, %logistic3A_110 : vector<2560x256xf32>
      %logistic3A_114 = arith.divf %logistic3A_112, %logistic3A_113 : vector<2560x256xf32>
      %slice3A_115 = vector.extract_strided_slice %dot_general3A_94 {offsets = [0, 512], sizes = [2560, 256], strides = [1, 1]} : vector<2560x768xf32> to vector<2560x256xf32>
      %slice3A_116 = vector.extract_strided_slice %dot_general3A_99 {offsets = [0, 512], sizes = [2560, 256], strides = [1, 1]} : vector<2560x768xf32> to vector<2560x256xf32>
      %mul3A = arith.mulf %logistic3A_105, %slice3A_116 : vector<2560x256xf32>
      %add3A_117 = arith.addf %slice3A_115, %mul3A : vector<2560x256xf32>
      %tanh3A = math.tanh %add3A_117 : vector<2560x256xf32>
      %sub3A = arith.constant 1.000000e+00 : f32
      %sub3A_118 = vector.broadcast %sub3A : f32 to vector<2560x256xf32>
      %sub3A_119 = arith.subf %sub3A_118, %logistic3A_114 : vector<2560x256xf32>
      %mul3A_120 = arith.mulf %sub3A_119, %tanh3A : vector<2560x256xf32>
      %mul3A_121 = arith.mulf %logistic3A_114, %convert_element_type3A_90 : vector<2560x256xf32>
      %add3A_122 = arith.addf %mul3A_120, %mul3A_121 : vector<2560x256xf32>
      %slice3A_123 = vector.extract_strided_slice %add3A_122 {offsets = [624, 0], sizes = [1, 256], strides = [1, 1]} : vector<2560x256xf32> to vector<1x256xf32>
      %slice3A_124 = vector.extract_strided_slice %add3A_122 {offsets = [1264, 0], sizes = [1, 256], strides = [1, 1]} : vector<2560x256xf32> to vector<1x256xf32>
      %slice3A_125 = vector.extract_strided_slice %add3A_122 {offsets = [1904, 0], sizes = [1, 256], strides = [1, 1]} : vector<2560x256xf32> to vector<1x256xf32>
      %slice3A_126 = vector.extract_strided_slice %add3A_122 {offsets = [2544, 0], sizes = [1, 256], strides = [1, 1]} : vector<2560x256xf32> to vector<1x256xf32>
      %concatenate3A_127 = tpu.concatenate %slice3A_123, %slice3A_124, %slice3A_125, %slice3A_126 in 0 : vector<1x256xf32>, vector<1x256xf32>, vector<1x256xf32>, vector<1x256xf32> -> vector<4x256xf32>
      %get3A_128 = arith.constant 0 : index
      %get3A_129 = arith.constant 0 : index
      %get3A_130 = vector.load %arg7[%get3A_128, %get3A_129] : memref<256x256xf32, #tpu.memory_space<vmem>>, vector<256x256xf32>
      %dot_general3A_131 = arith.constant dense<0.000000e+00> : vector<4x256xf32>
      %dot_general3A_132 = tpu.matmul %concatenate3A_127, %get3A_130, %dot_general3A_131 {dimension_numbers = #tpu.dot_dimension_numbers<[1], [0], [0], [1], [0, 0, 1, 1], [], []>, transpose_lhs_hint = false} : vector<4x256xf32>, vector<256x256xf32>, vector<4x256xf32> -> vector<4x256xf32>
      %slice3A_133 = vector.extract_strided_slice %dot_general3A_132 {offsets = [0, 0], sizes = [1, 256], strides = [1, 1]} : vector<4x256xf32> to vector<1x256xf32>
      %broadcast_in_dim3A = vector.shape_cast %slice3A_133 : vector<1x256xf32> to vector<1x256xf32>
      %broadcast_in_dim3A_134 = vector.broadcast %broadcast_in_dim3A : vector<1x256xf32> to vector<640x256xf32>
      %slice3A_135 = vector.extract_strided_slice %dot_general3A_132 {offsets = [1, 0], sizes = [1, 256], strides = [1, 1]} : vector<4x256xf32> to vector<1x256xf32>
      %broadcast_in_dim3A_136 = vector.shape_cast %slice3A_135 : vector<1x256xf32> to vector<1x256xf32>
      %broadcast_in_dim3A_137 = vector.broadcast %broadcast_in_dim3A_136 : vector<1x256xf32> to vector<640x256xf32>
      %slice3A_138 = vector.extract_strided_slice %dot_general3A_132 {offsets = [2, 0], sizes = [1, 256], strides = [1, 1]} : vector<4x256xf32> to vector<1x256xf32>
      %broadcast_in_dim3A_139 = vector.shape_cast %slice3A_138 : vector<1x256xf32> to vector<1x256xf32>
      %broadcast_in_dim3A_140 = vector.broadcast %broadcast_in_dim3A_139 : vector<1x256xf32> to vector<640x256xf32>
      %slice3A_141 = vector.extract_strided_slice %dot_general3A_132 {offsets = [3, 0], sizes = [1, 256], strides = [1, 1]} : vector<4x256xf32> to vector<1x256xf32>
      %broadcast_in_dim3A_142 = vector.shape_cast %slice3A_141 : vector<1x256xf32> to vector<1x256xf32>
      %broadcast_in_dim3A_143 = vector.broadcast %broadcast_in_dim3A_142 : vector<1x256xf32> to vector<640x256xf32>
      %concatenate3A_144 = tpu.concatenate %broadcast_in_dim3A_134, %broadcast_in_dim3A_137, %broadcast_in_dim3A_140, %broadcast_in_dim3A_143 in 0 : vector<640x256xf32>, vector<640x256xf32>, vector<640x256xf32>, vector<640x256xf32> -> vector<2560x256xf32>
      %get3A_145 = arith.constant 0 : index
      %get3A_146 = arith.constant 0 : index
      %get3A_147 = vector.load %arg8[%get3A_145, %get3A_146] : memref<256x256xf32, #tpu.memory_space<vmem>>, vector<256x256xf32>
      %dot_general3A_148 = arith.constant dense<0.000000e+00> : vector<2560x256xf32>
      %dot_general3A_149 = tpu.matmul %add3A_122, %get3A_147, %dot_general3A_148 {dimension_numbers = #tpu.dot_dimension_numbers<[1], [0], [0], [1], [0, 0, 1, 1], [], []>, transpose_lhs_hint = false} : vector<2560x256xf32>, vector<256x256xf32>, vector<2560x256xf32> -> vector<2560x256xf32>
      %get3A_150 = arith.constant 0 : index
      %get3A_151 = arith.constant 0 : index
      %get3A_152 = vector.load %arg9[%get3A_150, %get3A_151] : memref<1x256xf32, #tpu.memory_space<vmem>>, vector<1x256xf32>
      %add3A_153 = vector.broadcast %get3A_152 : vector<1x256xf32> to vector<2560x256xf32>
      %add3A_154 = arith.addf %dot_general3A_149, %add3A_153 : vector<2560x256xf32>
      %add3A_155 = arith.addf %concatenate3A_144, %add3A_154 : vector<2560x256xf32>
      %logistic3A_156 = arith.negf %add3A_155 : vector<2560x256xf32>
      %logistic3A_157 = math.exp %logistic3A_156 : vector<2560x256xf32>
      %logistic3A_158 = arith.constant 1.000000e+00 : f32
      %logistic3A_159 = vector.broadcast %logistic3A_158 : f32 to vector<2560x256xf32>
      %logistic3A_160 = arith.addf %logistic3A_159, %logistic3A_157 : vector<2560x256xf32>
      %logistic3A_161 = arith.divf %logistic3A_159, %logistic3A_160 : vector<2560x256xf32>
      %get3A_162 = arith.constant 0 : index
      %get3A_163 = arith.constant 0 : index
      %get3A_164 = vector.load %arg10[%get3A_162, %get3A_163] : memref<256x256xf32, #tpu.memory_space<vmem>>, vector<256x256xf32>
      %dot_general3A_165 = arith.constant dense<0.000000e+00> : vector<2560x256xf32>
      %dot_general3A_166 = tpu.matmul %logistic3A_161, %get3A_164, %dot_general3A_165 {dimension_numbers = #tpu.dot_dimension_numbers<[1], [0], [0], [1], [0, 0, 1, 1], [], []>, transpose_lhs_hint = false} : vector<2560x256xf32>, vector<256x256xf32>, vector<2560x256xf32> -> vector<2560x256xf32>
      %get3A_167 = arith.constant 0 : index
      %get3A_168 = arith.constant 0 : index
      %get3A_169 = vector.load %arg11[%get3A_167, %get3A_168] : memref<1x256xf32, #tpu.memory_space<vmem>>, vector<1x256xf32>
      %add3A_170 = vector.broadcast %get3A_169 : vector<1x256xf32> to vector<2560x256xf32>
      %add3A_171 = arith.addf %dot_general3A_166, %add3A_170 : vector<2560x256xf32>
      %mul3A_172 = arith.mulf %add3A_171, %add3A_122 : vector<2560x256xf32>
      %slice3A_173 = vector.extract_strided_slice %mul3A_172 {offsets = [0, 0], sizes = [640, 256], strides = [1, 1]} : vector<2560x256xf32> to vector<640x256xf32>
      %reduce_sum3A = arith.constant dense<0.000000e+00> : vector<256xf32>
      %reduce_sum3A_174 = vector.multi_reduction <add>, %slice3A_173, %reduce_sum3A [0] : vector<640x256xf32> to vector<256xf32>
      %broadcast_in_dim3A_175 = vector.shape_cast %reduce_sum3A_174 : vector<256xf32> to vector<1x256xf32>
      %slice3A_176 = vector.extract_strided_slice %mul3A_172 {offsets = [640, 0], sizes = [640, 256], strides = [1, 1]} : vector<2560x256xf32> to vector<640x256xf32>
      %reduce_sum3A_177 = arith.constant dense<0.000000e+00> : vector<256xf32>
      %reduce_sum3A_178 = vector.multi_reduction <add>, %slice3A_176, %reduce_sum3A_177 [0] : vector<640x256xf32> to vector<256xf32>
      %broadcast_in_dim3A_179 = vector.shape_cast %reduce_sum3A_178 : vector<256xf32> to vector<1x256xf32>
      %slice3A_180 = vector.extract_strided_slice %mul3A_172 {offsets = [1280, 0], sizes = [640, 256], strides = [1, 1]} : vector<2560x256xf32> to vector<640x256xf32>
      %reduce_sum3A_181 = arith.constant dense<0.000000e+00> : vector<256xf32>
      %reduce_sum3A_182 = vector.multi_reduction <add>, %slice3A_180, %reduce_sum3A_181 [0] : vector<640x256xf32> to vector<256xf32>
      %broadcast_in_dim3A_183 = vector.shape_cast %reduce_sum3A_182 : vector<256xf32> to vector<1x256xf32>
      %slice3A_184 = vector.extract_strided_slice %mul3A_172 {offsets = [1920, 0], sizes = [640, 256], strides = [1, 1]} : vector<2560x256xf32> to vector<640x256xf32>
      %reduce_sum3A_185 = arith.constant dense<0.000000e+00> : vector<256xf32>
      %reduce_sum3A_186 = vector.multi_reduction <add>, %slice3A_184, %reduce_sum3A_185 [0] : vector<640x256xf32> to vector<256xf32>
      %broadcast_in_dim3A_187 = vector.shape_cast %reduce_sum3A_186 : vector<256xf32> to vector<1x256xf32>
      %concatenate3A_188 = tpu.concatenate %broadcast_in_dim3A_175, %broadcast_in_dim3A_179, %broadcast_in_dim3A_183, %broadcast_in_dim3A_187 in 0 : vector<1x256xf32>, vector<1x256xf32>, vector<1x256xf32>, vector<1x256xf32> -> vector<4x256xf32>
      %slice3A_189 = vector.extract_strided_slice %concatenate3A_127 {offsets = [0, 0], sizes = [1, 256], strides = [1, 1]} : vector<4x256xf32> to vector<1x256xf32>
      %mul3A_190 = arith.constant 4 : i32
      %mul3A_191 = arith.muli %mul3A_190, %arg0 : i32
      %add3A_192 = arith.constant 0 : i32
      %add3A_193 = arith.addi %mul3A_191, %add3A_192 : i32
      %swap3A = arith.index_cast %add3A_193 : i32 to index
      %swap3A_194 = arith.constant 0 : index
      %swap3A_195 = vector.load %arg16[%swap3A, %swap3A_194] : memref<16x512xf32, #tpu.memory_space<vmem>>, vector<1x256xf32>
      tpu.vector_store %arg16[%swap3A, %swap3A_194], %slice3A_189 {strides = array<i32>} : memref<16x512xf32, #tpu.memory_space<vmem>>, vector<1x256xf32>,
      %slice3A_196 = vector.extract_strided_slice %concatenate3A_188 {offsets = [0, 0], sizes = [1, 256], strides = [1, 1]} : vector<4x256xf32> to vector<1x256xf32>
      %mul3A_197 = arith.constant 4 : i32
      %mul3A_198 = arith.muli %mul3A_197, %arg0 : i32
      %add3A_199 = arith.constant 0 : i32
      %add3A_200 = arith.addi %mul3A_198, %add3A_199 : i32
      %swap3A_201 = arith.index_cast %add3A_200 : i32 to index
      %swap3A_202 = arith.constant 256 : index
      %swap3A_203 = vector.load %arg16[%swap3A_201, %swap3A_202] : memref<16x512xf32, #tpu.memory_space<vmem>>, vector<1x256xf32>
      tpu.vector_store %arg16[%swap3A_201, %swap3A_202], %slice3A_196 {strides = array<i32>} : memref<16x512xf32, #tpu.memory_space<vmem>>, vector<1x256xf32>,
      %slice3A_204 = vector.extract_strided_slice %concatenate3A_127 {offsets = [1, 0], sizes = [1, 256], strides = [1, 1]} : vector<4x256xf32> to vector<1x256xf32>
      %mul3A_205 = arith.constant 4 : i32
      %mul3A_206 = arith.muli %mul3A_205, %arg0 : i32
      %add3A_207 = arith.constant 1 : i32
      %add3A_208 = arith.addi %mul3A_206, %add3A_207 : i32
      %swap3A_209 = arith.index_cast %add3A_208 : i32 to index
      %swap3A_210 = arith.constant 0 : index
      %swap3A_211 = vector.load %arg16[%swap3A_209, %swap3A_210] : memref<16x512xf32, #tpu.memory_space<vmem>>, vector<1x256xf32>
      tpu.vector_store %arg16[%swap3A_209, %swap3A_210], %slice3A_204 {strides = array<i32>} : memref<16x512xf32, #tpu.memory_space<vmem>>, vector<1x256xf32>,
      %slice3A_212 = vector.extract_strided_slice %concatenate3A_188 {offsets = [1, 0], sizes = [1, 256], strides = [1, 1]} : vector<4x256xf32> to vector<1x256xf32>
      %mul3A_213 = arith.constant 4 : i32
      %mul3A_214 = arith.muli %mul3A_213, %arg0 : i32
      %add3A_215 = arith.constant 1 : i32
      %add3A_216 = arith.addi %mul3A_214, %add3A_215 : i32
      %swap3A_217 = arith.index_cast %add3A_216 : i32 to index
      %swap3A_218 = arith.constant 256 : index
      %swap3A_219 = vector.load %arg16[%swap3A_217, %swap3A_218] : memref<16x512xf32, #tpu.memory_space<vmem>>, vector<1x256xf32>
      tpu.vector_store %arg16[%swap3A_217, %swap3A_218], %slice3A_212 {strides = array<i32>} : memref<16x512xf32, #tpu.memory_space<vmem>>, vector<1x256xf32>,
      %slice3A_220 = vector.extract_strided_slice %concatenate3A_127 {offsets = [2, 0], sizes = [1, 256], strides = [1, 1]} : vector<4x256xf32> to vector<1x256xf32>
      %mul3A_221 = arith.constant 4 : i32
      %mul3A_222 = arith.muli %mul3A_221, %arg0 : i32
      %add3A_223 = arith.constant 2 : i32
      %add3A_224 = arith.addi %mul3A_222, %add3A_223 : i32
      %swap3A_225 = arith.index_cast %add3A_224 : i32 to index
      %swap3A_226 = arith.constant 0 : index
      %swap3A_227 = vector.load %arg16[%swap3A_225, %swap3A_226] : memref<16x512xf32, #tpu.memory_space<vmem>>, vector<1x256xf32>
      tpu.vector_store %arg16[%swap3A_225, %swap3A_226], %slice3A_220 {strides = array<i32>} : memref<16x512xf32, #tpu.memory_space<vmem>>, vector<1x256xf32>,
      %slice3A_228 = vector.extract_strided_slice %concatenate3A_188 {offsets = [2, 0], sizes = [1, 256], strides = [1, 1]} : vector<4x256xf32> to vector<1x256xf32>
      %mul3A_229 = arith.constant 4 : i32
      %mul3A_230 = arith.muli %mul3A_229, %arg0 : i32
      %add3A_231 = arith.constant 2 : i32
      %add3A_232 = arith.addi %mul3A_230, %add3A_231 : i32
      %swap3A_233 = arith.index_cast %add3A_232 : i32 to index
      %swap3A_234 = arith.constant 256 : index
      %swap3A_235 = vector.load %arg16[%swap3A_233, %swap3A_234] : memref<16x512xf32, #tpu.memory_space<vmem>>, vector<1x256xf32>
      tpu.vector_store %arg16[%swap3A_233, %swap3A_234], %slice3A_228 {strides = array<i32>} : memref<16x512xf32, #tpu.memory_space<vmem>>, vector<1x256xf32>,
      %slice3A_236 = vector.extract_strided_slice %concatenate3A_127 {offsets = [3, 0], sizes = [1, 256], strides = [1, 1]} : vector<4x256xf32> to vector<1x256xf32>
      %mul3A_237 = arith.constant 4 : i32
      %mul3A_238 = arith.muli %mul3A_237, %arg0 : i32
      %add3A_239 = arith.constant 3 : i32
      %add3A_240 = arith.addi %mul3A_238, %add3A_239 : i32
      %swap3A_241 = arith.index_cast %add3A_240 : i32 to index
      %swap3A_242 = arith.constant 0 : index
      %swap3A_243 = vector.load %arg16[%swap3A_241, %swap3A_242] : memref<16x512xf32, #tpu.memory_space<vmem>>, vector<1x256xf32>
      tpu.vector_store %arg16[%swap3A_241, %swap3A_242], %slice3A_236 {strides = array<i32>} : memref<16x512xf32, #tpu.memory_space<vmem>>, vector<1x256xf32>,
      %slice3A_244 = vector.extract_strided_slice %concatenate3A_188 {offsets = [3, 0], sizes = [1, 256], strides = [1, 1]} : vector<4x256xf32> to vector<1x256xf32>
      %mul3A_245 = arith.constant 4 : i32
      %mul3A_246 = arith.muli %mul3A_245, %arg0 : i32
      %add3A_247 = arith.constant 3 : i32
      %add3A_248 = arith.addi %mul3A_246, %add3A_247 : i32
      %swap3A_249 = arith.index_cast %add3A_248 : i32 to index
      %swap3A_250 = arith.constant 256 : index
      %swap3A_251 = vector.load %arg16[%swap3A_249, %swap3A_250] : memref<16x512xf32, #tpu.memory_space<vmem>>, vector<1x256xf32>
      tpu.vector_store %arg16[%swap3A_249, %swap3A_250], %slice3A_244 {strides = array<i32>} : memref<16x512xf32, #tpu.memory_space<vmem>>, vector<1x256xf32>,
    } else {
    }
    %eq3A = arith.constant 4 : i32
    %eq3A_2 = arith.cmpi eq, %arg0, %eq3A : i32
    %convert_element_type3A_3 = arith.extui %eq3A_2 : i1 to i32
    %cond3A_4 = arith.constant 0 : i32
    %cond3A_5 = arith.cmpi ne, %convert_element_type3A_3, %cond3A_4 : i32
    scf.if %cond3A_5 {
      %get3A = arith.constant 0 : index
      %get3A_6 = arith.constant 0 : index
      %get3A_7 = vector.load %arg16[%get3A, %get3A_6] : memref<16x512xf32, #tpu.memory_space<vmem>>, vector<16x512xf32>
      %get3A_8 = arith.constant 0 : index
      %get3A_9 = arith.constant 0 : index
      %get3A_10 = vector.load %arg12[%get3A_8, %get3A_9] : memref<512x256xf32, #tpu.memory_space<vmem>>, vector<512x256xf32>
      %dot_general3A = arith.constant dense<0.000000e+00> : vector<16x256xf32>
      %dot_general3A_11 = tpu.matmul %get3A_7, %get3A_10, %dot_general3A {dimension_numbers = #tpu.dot_dimension_numbers<[1], [0], [0], [1], [0, 0, 1, 1], [], []>, transpose_lhs_hint = false} : vector<16x512xf32>, vector<512x256xf32>, vector<16x256xf32> -> vector<16x256xf32>
      %get3A_12 = arith.constant 0 : index
      %get3A_13 = arith.constant 0 : index
      %get3A_14 = vector.load %arg13[%get3A_12, %get3A_13] : memref<256x128xf32, #tpu.memory_space<vmem>>, vector<256x128xf32>
      %dot_general3A_15 = arith.constant dense<0.000000e+00> : vector<16x128xf32>
      %dot_general3A_16 = tpu.matmul %dot_general3A_11, %get3A_14, %dot_general3A_15 {dimension_numbers = #tpu.dot_dimension_numbers<[1], [0], [0], [1], [0, 0, 1, 1], [], []>, transpose_lhs_hint = false} : vector<16x256xf32>, vector<256x128xf32>, vector<16x128xf32> -> vector<16x128xf32>
      %get3A_17 = arith.constant 0 : index
      %get3A_18 = arith.constant 0 : index
      %get3A_19 = vector.load %arg14[%get3A_17, %get3A_18] : memref<128x513xf32, #tpu.memory_space<vmem>>, vector<128x513xf32>
      %dot_general3A_20 = arith.constant dense<0.000000e+00> : vector<16x513xf32>
      %dot_general3A_21 = tpu.matmul %dot_general3A_16, %get3A_19, %dot_general3A_20 {dimension_numbers = #tpu.dot_dimension_numbers<[1], [0], [0], [1], [0, 0, 1, 1], [], []>, transpose_lhs_hint = false} : vector<16x128xf32>, vector<128x513xf32>, vector<16x513xf32> -> vector<16x513xf32>
      %swap3A = arith.constant 0 : index
      %swap3A_22 = arith.constant 0 : index
      %swap3A_23 = vector.load %arg15[%swap3A, %swap3A_22] : memref<16x513xf32, #tpu.memory_space<vmem>>, vector<16x513xf32>
      tpu.vector_store %arg15[%swap3A, %swap3A_22], %dot_general3A_21 {strides = array<i32>} : memref<16x513xf32, #tpu.memory_space<vmem>>, vector<16x513xf32>,
    } else {
    }
    return
  }
  func.func @transform_0(%arg0: i32) -> (i32, i32, i32) {
    %min3A = arith.constant 3 : i32
    %min3A_0 = arith.minsi %arg0, %min3A : i32
    %c0_i32 = arith.constant 0 : i32
    %c0_i32_1 = arith.constant 0 : i32
    %c0_i32_2 = arith.constant 0 : i32
    return %min3A_0, %c0_i32, %c0_i32_1 : i32, i32, i32
  }
  func.func @transform_1(%arg0: i32) -> (i32, i32, i32) {
    %min3A = arith.constant 3 : i32
    %min3A_0 = arith.minsi %arg0, %min3A : i32
    %c0_i32 = arith.constant 0 : i32
    %c0_i32_1 = arith.constant 0 : i32
    %c0_i32_2 = arith.constant 0 : i32
    return %min3A_0, %c0_i32, %c0_i32_1 : i32, i32, i32
  }
  func.func @transform_2(%arg0: i32) -> (i32, i32, i32) {
    %min3A = arith.constant 3 : i32
    %min3A_0 = arith.minsi %arg0, %min3A : i32
    %c0_i32 = arith.constant 0 : i32
    %c0_i32_1 = arith.constant 0 : i32
    %c0_i32_2 = arith.constant 0 : i32
    return %min3A_0, %c0_i32, %c0_i32_1 : i32, i32, i32
  }
  func.func @transform_3(%arg0: i32) -> (i32, i32, i32) {
    %min3A = arith.constant 3 : i32
    %min3A_0 = arith.minsi %arg0, %min3A : i32
    %c0_i32 = arith.constant 0 : i32
    %c0_i32_1 = arith.constant 0 : i32
    %c0_i32_2 = arith.constant 0 : i32
    return %min3A_0, %c0_i32, %c0_i32_1 : i32, i32, i32
  }
  func.func @transform_4(%arg0: i32) -> (i32, i32) {
    %c0_i32 = arith.constant 0 : i32
    %c0_i32_0 = arith.constant 0 : i32
    %c0_i32_1 = arith.constant 0 : i32
    return %c0_i32, %c0_i32_0 : i32, i32
  }
  func.func @transform_5(%arg0: i32) -> (i32, i32) {
    %c0_i32 = arith.constant 0 : i32
    %c0_i32_0 = arith.constant 0 : i32
    %c0_i32_1 = arith.constant 0 : i32
    return %c0_i32, %c0_i32_0 : i32, i32
  }
  func.func @transform_6(%arg0: i32) -> (i32, i32) {
    %c0_i32 = arith.constant 0 : i32
    %c0_i32_0 = arith.constant 0 : i32
    %c0_i32_1 = arith.constant 0 : i32
    return %c0_i32, %c0_i32_0 : i32, i32
  }
  func.func @transform_7(%arg0: i32) -> (i32, i32) {
    %c0_i32 = arith.constant 0 : i32
    %c0_i32_0 = arith.constant 0 : i32
    %c0_i32_1 = arith.constant 0 : i32
    return %c0_i32, %c0_i32_0 : i32, i32
  }
  func.func @transform_8(%arg0: i32) -> (i32, i32) {
    %c0_i32 = arith.constant 0 : i32
    %c0_i32_0 = arith.constant 0 : i32
    %c0_i32_1 = arith.constant 0 : i32
    return %c0_i32, %c0_i32_0 : i32, i32
  }
  func.func @transform_9(%arg0: i32) -> (i32, i32) {
    %c0_i32 = arith.constant 0 : i32
    %c0_i32_0 = arith.constant 0 : i32
    %c0_i32_1 = arith.constant 0 : i32
    return %c0_i32, %c0_i32_0 : i32, i32
  }
  func.func @transform_10(%arg0: i32) -> (i32, i32) {
    %c0_i32 = arith.constant 0 : i32
    %c0_i32_0 = arith.constant 0 : i32
    %c0_i32_1 = arith.constant 0 : i32
    return %c0_i32, %c0_i32_0 : i32, i32
  }
  func.func @transform_11(%arg0: i32) -> (i32, i32) {
    %c0_i32 = arith.constant 0 : i32
    %c0_i32_0 = arith.constant 0 : i32
    %c0_i32_1 = arith.constant 0 : i32
    return %c0_i32, %c0_i32_0 : i32, i32
  }
  func.func @transform_12(%arg0: i32) -> (i32, i32) {
    %c0_i32 = arith.constant 0 : i32
    %c0_i32_0 = arith.constant 0 : i32
    %c0_i32_1 = arith.constant 0 : i32
    return %c0_i32, %c0_i32_0 : i32, i32
  }
  func.func @transform_13(%arg0: i32) -> (i32, i32) {
    %c0_i32 = arith.constant 0 : i32
    %c0_i32_0 = arith.constant 0 : i32
    %c0_i32_1 = arith.constant 0 : i32
    return %c0_i32, %c0_i32_0 : i32, i32
  }
  func.func @transform_14(%arg0: i32) -> (i32, i32) {
    %c0_i32 = arith.constant 0 : i32
    %c0_i32_0 = arith.constant 0 : i32
    %c0_i32_1 = arith.constant 0 : i32
    return %c0_i32, %c0_i32_0 : i32, i32
  }
}

</mosaic_0001>

<sc_bundles>
// kernel: kernel.4.cloned.1.call-start
scs
__scs_entry_jumppad:
0x0: {  	(pc) =	sbr.rel $0x88, $3  }
0x1: {  	(tag) =	ssettag $0x0;
	lr =	simm.s32 $0x1  }
0x2: {  	[smem:$0x3F95] =	sst lr;
	_ =	strace $0xD0000000  }
0x3: {  	_ = 	snop  }
0x4: {  	_ = 	snop  }
0x5: {  	_ = 	snop  }
0x6: {  	_ = 	snop  }
0x7: {  	_ = 	snop  }
__scs_overlays_trampoline_lowered:
0x8: {  	[smem:$0x3FA4] =	sst s0  }
0x9: {  	[smem:$0x3FA5] =	sst s1  }
0xa: {  	[smem:$0x3FA6] =	sst s2  }
0xb: {  	[smem:$0x3FA7] =	sst s3  }
0xc: {  	[smem:$0x3FA8] =	sst s4  }
0xd: {  	[smem:$0x3FA9] =	sst s5  }
0xe: {  	[smem:$0x3FAA] =	sst s6  }
0xf: {  	[smem:$0x3FAB] =	sst s7  }
0x10: {  	[smem:$0x3FAC] =	sst s8  }
0x11: {  	[smem:$0x3FAD] =	sst s9;
	s0 =	simm.s32 @!p0 $0x0  }
0x12: {  	s1 =	sld [smem:$0x3F93];
	s0 =	simm.s32 @p0 $0x1  }
0x13: {  	[smem:$0x3FAE] =	sst s0;
	s0 =	simm.s32 @!p1 $0x0  }
0x14: {  	s2 =	sld [smem:$0x3F92];
	s0 =	simm.s32 @p1 $0x1  }
0x15: {  	[smem:$0x3FAF] =	sst s0;
	s0 =	simm.s32 @!p2 $0x0  }
0x16: {  	s3 =	sld [smem:$0x3FDB];
	s0 =	simm.s32 @p2 $0x1  }
0x17: {  	s4 =	simm.s32 $0x1BF5;
	[smem:$0x3FB1] =	sst s0  }
0x18: {  	s0 =	sld [smem:$0x3F94];
	_ =	swait.ge [sflag:s4], $0x0  }
0x19: {  	s7 =	sld [smem:$0x3F95]  }
0x1a: {  	s8 =	sadd.s32 $0xFFFFE003, lr  }
0x1b: {  	s9 =	sadd.s32 $0xFFFFFEF7, lr;
	s5 =	simm.s32 $0xFFFFFFFF;
	p2 =	slt.u32 s8, $0xFFFFF086  }
0x1c: {  	p1 =	slt.u32 s9, $0xF7A;
	s5 =	simm.s32 @!p2 $0x0  }
0x1d: {  	s5 =	simm.s32 @p1 $0x1;
	p0 =	seq.s32 s7, s2  }
0x1e: {  	s7 =	smul.u32 @!p0 $0xF7A, s2;
	p2 =	seq.s32 @!p0 s5, $0x0  }
0x1f: {  	s9 =	smul.u32 $0xF7A, s1;
	s8 =	simm.s32 @!p0 $0x1BF5;
	p2 =	por !p2, p0  }
0x20: {  	[sflag:s8] =	ssyncset.s32 @!p0 $0xFFFFF086;
	s6 =	sadd.s32 @!p0 s3, s7;
	s7 =	simm.s32 @!p0 $0x108  }
0x21: {  	s3 =	sadd.s32 s3, s9;
	s6 =	sadd.s32 @!p0 $0x88, s6;
	s7 =	simm.s32 @p2 $0x1082  }
0x22: {  	[simem:s7], [sflag:s8] =	dma.local @!p0 [hbm:s6], $0xF7A  }
0x23: {  	s9 =	sor.u32 $0xD0000000, s2;
	s6 =	simm.s32 $0x108;
	_ =	swait.ge @!p0 [sflag:s8], $0x0  }
0x24: {  	s3 =	sadd.s32 $0x88, s3;
	s6 =	simm.s32 @!p1 $0x1082;
	[sflag:s4] =	ssyncset.s32 $0xFFFFF086  }
0x25: {  	[simem:s6], [sflag:s4] =	dma.local [hbm:s3], $0xF7A  }
0x26: {  	[smem:$0x3F95] =	sst s1;
	(tag) =	ssettag s2;
	_ =	strace s9  }
0x27: {  	s1 =	sld [smem:$0x3FA5]  }
0x28: {  	s2 =	sld [smem:$0x3FA6]  }
0x29: {  	s4 =	sld [smem:$0x3FA8]  }
0x2a: {  	p0 =	seq.s32 s5, $0x0;
	s5 =	sld [smem:$0x3FA9]  }
0x2b: {  	s6 =	sld [smem:$0x3FAA]  }
0x2c: {  	s7 =	sld [smem:$0x3FAB]  }
0x2d: {  	s3 =	simm.s32 $0x108;
	s8 =	sld [smem:$0x3FAC]  }
0x2e: {  	s3 =	simm.s32 @!p0 $0x1082;
	s9 =	sld [smem:$0x3FAD]  }
0x2f: {  	lr =	sadd.s32 s0, s3;
	s0 =	sld [smem:$0x3FA4]  }
0x30: {  	s3 =	sld [smem:$0x3FA7]  }
0x31: {  	[smem:$0x3FB0] =	sst s10  }
0x32: {  	s10 =	sld [smem:$0x3FAE];
	_ =	sdelay $0x3  }
0x33: {  	p0 =	seq.s32 s10, $0x1;
	s10 =	sld [smem:$0x3FB0];
	_ =	sdelay $0x3  }
0x34: {  	[smem:$0x3FB0] =	sst s10  }
0x35: {  	s10 =	sld [smem:$0x3FAF];
	_ =	sdelay $0x3  }
0x36: {  	p1 =	seq.s32 s10, $0x1;
	s10 =	sld [smem:$0x3FB0];
	_ =	sdelay $0x3  }
0x37: {  	[smem:$0x3FB0] =	sst s10  }
0x38: {  	s10 =	sld [smem:$0x3FB1]  }
0x39: {  	_ = 	snop;
	(pc) =	sbr.ind lr, $3  }
0x3a: {  	_ = 	snop  }
0x3b: {  	_ = 	snop  }
0x3c: {  	p2 =	seq.s32 s10, $0x1;
	s10 =	sld [smem:$0x3FB0]  }
0x3d: {  	_ =	shalt  }
0x3e: {  	_ =	shalt  }
0x3f: {  	_ =	shalt  }
0x40: {  	_ =	shalt  }
0x41: {  	_ =	shalt  }
0x42: {  	_ =	shalt  }
0x43: {  	_ =	shalt  }
0x44: {  	_ =	shalt  }
0x45: {  	_ =	shalt  }
0x46: {  	_ =	shalt  }
0x47: {  	_ =	shalt  }
0x48: {  	_ =	shalt  }
0x49: {  	_ =	shalt  }
0x4a: {  	_ =	shalt  }
0x4b: {  	_ =	shalt  }
0x4c: {  	_ =	shalt  }
0x4d: {  	_ =	shalt  }
0x4e: {  	_ =	shalt  }
0x4f: {  	_ =	shalt  }
0x50: {  	_ =	shalt  }
0x51: {  	_ =	shalt  }
0x52: {  	_ =	shalt  }
0x53: {  	_ =	shalt  }
0x54: {  	_ =	shalt  }
0x55: {  	_ =	shalt  }
0x56: {  	_ =	shalt  }
0x57: {  	_ =	shalt  }
0x58: {  	_ =	shalt  }
0x59: {  	_ =	shalt  }
0x5a: {  	_ =	shalt  }
0x5b: {  	_ =	shalt  }
0x5c: {  	_ =	shalt  }
0x5d: {  	_ =	shalt  }
0x5e: {  	_ =	shalt  }
0x5f: {  	_ =	shalt  }
0x60: {  	_ =	shalt  }
0x61: {  	_ =	shalt  }
0x62: {  	_ =	shalt  }
0x63: {  	_ =	shalt  }
0x64: {  	_ =	shalt  }
0x65: {  	_ =	shalt  }
0x66: {  	_ =	shalt  }
0x67: {  	_ =	shalt  }
0x68: {  	_ =	shalt  }
0x69: {  	_ =	shalt  }
0x6a: {  	_ =	shalt  }
0x6b: {  	_ =	shalt  }
0x6c: {  	_ =	shalt  }
0x6d: {  	_ =	shalt  }
0x6e: {  	_ =	shalt  }
0x6f: {  	_ =	shalt  }
0x70: {  	_ =	shalt  }
0x71: {  	_ =	shalt  }
0x72: {  	_ =	shalt  }
0x73: {  	_ =	shalt  }
0x74: {  	_ =	shalt  }
0x75: {  	_ =	shalt  }
0x76: {  	_ =	shalt  }
0x77: {  	_ =	shalt  }
0x78: {  	_ =	shalt  }
0x79: {  	_ =	shalt  }
0x7a: {  	_ =	shalt  }
0x7b: {  	_ =	shalt  }
0x7c: {  	_ =	shalt  }
0x7d: {  	_ =	shalt  }
0x7e: {  	_ =	shalt  }
0x7f: {  	_ =	shalt  }
0x80: {  	_ =	shalt  }
0x81: {  	_ =	shalt  }
0x82: {  	_ =	shalt  }
0x83: {  	_ =	shalt  }
0x84: {  	_ =	shalt  }
0x85: {  	_ =	shalt  }
0x86: {  	_ =	shalt  }
0x87: {  	_ =	shalt  }
.Lfunc_end0:
.L_simem_size_0:
called_computation_lowered:
.L_overlay_start_0:
0x88: {  	s2 =	sld [smem:$0x3FD9]  }
0x89: {  	s3 =	sld [smem:$0x3FFE];
	_ =	sdelay $0x1  }
0x8a: {  	s1 =	srdreg.scid  }
0x8b: {  	s0 =	sand.u32 $0x1, s1  }
0x8c: {  	s17 =	sshll.u32 s0, $0xA;
	s2 =	sadd.s32 s3, s2  }
0x8d: {  	s2 =	sadd.s32 s2, s17  }
0x8e: {  	[smem:$0x3FBC] =	sst s2  }
0x8f: {  	_ = 	snop  }
0x90: {  	s2 =	sld [smem:$0x3FD0];
	(tm) =	ssettm $0x1  }
0x91: {  	s18 =	sld [smem:$0x3FFB];
	_ =	sdelay $0x3  }
0x92: {  	_ =	strace s18  }
0x93: {  	s3 =	sld [smem:$0x3FFC];
	_ =	sdelay $0x3  }
0x94: {  	_ =	strace s3  }
0x95: {  	s3 =	sld [smem:$0x3FFD];
	_ =	sdelay $0x3  }
0x96: {  	_ =	strace s3  }
0x97: {  	_ =	strace $0x8FFFFFFF  }
0x98: {  	s19 =	sld [smem:$0x3FDB];
	_ =	sdelay $0x1  }
0x99: {  	s4 =	simm.s32 $_scs_section_size  }
0x9a: {  	s5 =	simm.s32 $_size__tile_overlayer_lowered;
	s6 =	simm.s32 $_tile_overlayer_lowered  }
0x9b: {  	s22 =	simm.s32 $0x1BFF;
	s21 =	sshll.u32 s6, $0x1;
	s3 =	sadd.s32 s4, s19  }
0x9c: {  	s7 =	simm.s32 $0x0;
	s20 =	sshll.u32 s5, $0x1;
	s5 =	sadd.s32 s21, s3  }
0x9d: {  	[timem:s7], [sflag:s22] =	dma.local [hbm:s5], s20  }
0x9e: {  	_ =	swait.ge [sflag:s22], s20  }
0x9f: {  	s4 =	ssub.s32 $0x0, s20;
	[sflag:s22] =	ssyncset.done $0x0  }
0xa0: {  	[sflag:s22] =	ssyncadd.s32 s4;
	_ =	sdelay $0x1  }
0xa1: {  	s23 =	simm.s32 $0x1B8B  }
0xa2: {  	_ =	swait.ge [sflag:s23], $0x1  }
0xa3: {  	[sflag:s23] =	ssyncset.done $0x0  }
0xa4: {  	s25 =	simm.s32 $0x1B8E;
	s24 =	sld [smem:$0x3FFE];
	[sflag:s23] =	ssyncadd.s32 $0xFFFFFFFF  }
0xa5: {  	s26 =	simm.s32 $execute0_lowered;
	[smem:$0x3FD2] =	sst s25  }
0xa6: {  	s5 =	sshll.u32 s26, $0x1;
	_ =	strace $0x80000046;
	[dreg:$0x1] =	wrdreg $0xFFFFFFFF  }
0xa7: {  	s28 =	simm.s32 $_size_execute0_lowered;
	s3 =	sadd.s32 s3, s5;
	[dreg:$0x0] =	wrdreg $0x0  }
0xa8: {  	s5 =	sshll.u32 s28, $0x1;
	[dreg:$0x2] =	wrdreg s3  }
0xa9: {  	[dreg:$0x3] =	wrdreg s5  }
0xaa: {  	[dreg:$0x4] =	wrdreg $0xC0  }
0xab: {  	_ =	task [dreg:s7], $0x5FFFF  }
0xac: {  	[dreg:$0x1] =	wrdreg $0xFFFFFFFF  }
0xad: {  	[dreg:$0x0] =	wrdreg $0x60  }
0xae: {  	[dreg:$0x2] =	wrdreg s2  }
0xaf: {  	[dreg:$0x3] =	wrdreg s24  }
0xb0: {  	[dreg:$0x4] =	wrdreg $0xD1800  }
0xb1: {  	[dreg:$0x5] =	wrdreg $0x9  }
0xb2: {  	_ =	task.clear_ibuf [dreg:s7], $0x6FFFF;
	_ =	strace $0x90000046  }
0xb3: {  	s29 =	simm.s32 $0x9;
	_ =	strace $0x80000048  }
0xb4: {  	_ =	swait.ge [sflag:s29], $0x1  }
0xb5: {  	[sflag:s29] =	ssyncadd.s32 $0xFFFFFFFF  }
0xb6: {  	_ =	strace $0x90000048  }
0xb7: {  	_ =	sfence  }
0xb8: {  	s30 =	sld [smem:$0x0];
	_ =	sdelay $0x2  }
0xb9: {  	s31 =	sshll.u32 s1, $0xD;
	s1 =	sshrl.u32 s1, $0x2  }
0xba: {  	s3 =	sand.u32 $0x4000, s31;
	s1 =	sadd.s32 s1, s30  }
0xbb: {  	s0 =	sor.u32 s3, s0;
	s1 =	sshll.u32 s1, $0x11  }
0xbc: {  	s0 =	sor.u32 s1, s0  }
0xbd: {  	s0 =	sadd.s32 $0x8F2B, s0  }
0xbe: {  	[sflag:s0] =	ssyncadd.remote.s32 $0x1  }
0xbf: {  	_ =	sfence.sel $0xFFFF  }
0xc0: {  	[dreg:$0x0] =	wrdreg $0xFFFFFFFF;
	(pc) =	sbr.abs _section_cstart, $3  }
0xc1: {  	[dreg:$0x1] =	wrdreg $0xFFFFFFFF  }
0xc2: {  	_ =	task.clear_ibuf [dreg:s7], $0x2FFFF;
	_ =	strace $0x9FFFFFFF  }
0xc3: {  	(tm) =	ssettm $0x7FFFFFFF  }
tec
execute0_lowered:
.L_overlay_start_1:
0x0: {  	(tag) =	ssettag $0x1  }
0x1: {  	s0 =	rddreg [dreg:$0x0]  }
0x2: {  	s1 =	rddreg [dreg:$0x1]  }
0x3: {  	s2 =	rddreg [dreg:$0x2];
	s3 =	simm.s32 $0x0;
	s16 =	stileid.u32  }
0x4: {  	s7 =	srdreg.scid;
	s28 =	simm.s32 $0x5180;
	s29 =	simm.s32 $0x7180  }
0x5: {  	s31 =	simm.s32 $0x9180;
	s30 =	simm.s32 $0x1;
	[smem:$0x7FF] =	sst s3  }
0x6: {  	s4 =	smul.u32 $0x4F0, s16;
	s5 =	sadd.s32 $0x1400, s1;
	s6 =	sadd.s32 $0x20600, s1  }
0x7: {  	s9 =	sand.u32 $0x1, s7;
	s7 =	sadd.s32 $0x49A00, s1;
	s12 =	smul.u32 $0x14000, s16  }
0x8: {  	s10 =	sadd.s32 $0x21A00, s1;
	s14 =	smul.u32 $0x50, s16;
	s26 =	sshll.u32 s16, $0x6  }
0x9: {  	_ =	strace $0x80000047;
	[dreg:$0x4] =	wrdreg s10;
	s18 =	ssub.s32 $0x2, s9  }
0xa: {  	p0 =	sne.s32 s9, $0x0;
	s9 =	simm.s32 $0x4;
	s8 =	sadd.s32 s4, s1  }
0xb: {  	s4 =	sadd.s32 $0x1F400, s1;
	s1 =	sadd.s32 $0x35A00, s1;
	s19 =	sshrl.u32 s18, $0x1  }
0xc: {  	s20 =	sshrl.u32 s12, $0x1;
	s12 =	sshrl.u32 s12, $0x4;
	s0 =	sadd.s32 s0, s14  }
0xd: {  	[dreg:$0x5] =	wrdreg s1;
	s1 =	ssub.s32 s18, s19;
	s15 =	sadd.s32 s7, s12  }
0xe: {  	s10 =	sadd.s32 $0x1A400, s8;
	[dreg:$0x6] =	wrdreg s0;
	s21 =	sadd.s32 $0x400, s15  }
0xf: {  	s11 =	sadd.s32 $0x15400, s8;
	s22 =	sadd.s32 $0x800, s15;
	[dreg:$0x7] =	wrdreg s21  }
0x10: {  	s13 =	sadd.s32 s20, s2;
	s23 =	sadd.s32 $0xC00, s15;
	[dreg:$0x8] =	wrdreg s22  }
.Ltmp0:
0x11: {  	s24 =	sadd.s32 $0x1000, s15;
	[dreg:$0x9] =	wrdreg s23;
	(pc) =	sbr.rel .LBB2_1-.Ltmp0, $4  }
0x12: {  	s0 =	simm.s32 $0x2;
	s25 =	sadd.s32 $0x1388, s15;
	[dreg:$0xa] =	wrdreg s24  }
0x13: {  	s8 =	simm.s32 $0x3;
	s19 =	simm.s32 $0x0;
	[dreg:$0xb] =	wrdreg s25  }
0x14: {  	s21 =	smax.u32 s1, $0x1;
	s22 =	simm.s32 $0x280;
	s23 =	simm.s32 $0x5  }
0x15: {  	s25 =	sor.u32 $0x1C05, s26;
	s26 =	simm.s32 $0x80;
	s1 =	simm.s32 $0xB180  }
.LBB2_7:
0x16: {  	s14 =	sadd.s32 $0x400, s24;
	[sflag:s23] =	ssyncadd.s32 $0xFFFFE000  }
0x17: {  	[tilespmem:s1], [sflag:$0x4] =	stream.indirect.gather [hbm4b:s5+s26], $0x40, s14, s26, $0xb8;
	[tilespmem:$0x17180] =	vst v63  }
0x18: {  	_ =	swait.ge [sflag:s30], $0x2000  }
0x19: {  	[sflag:s30] =	ssyncset.done $0x0  }
0x1a: {  	s16 =	sadd.s32 $0x2A00, s24;
	[sflag:s30] =	ssyncadd.s32 $0xFFFFE000  }
0x1b: {  	[spmem:s2] =	stream.indirect.scatter.add.bf16 [tilespmem:s28], [sflag:$0x5], $0x40, s16, s26, $0xb8;
	[tilespmem:$0x17180] =	vst v63  }
0x1c: {  	_ =	swait.ge [sflag:s23], $0x2000  }
0x1d: {  	[sflag:s23] =	ssyncset.done $0x0  }
0x1e: {  	s17 =	sadd.s32 $0x480, s24;
	[sflag:s23] =	ssyncadd.s32 $0xFFFFE000  }
0x1f: {  	[tilespmem:s28], [sflag:$0x1] =	stream.indirect.gather [hbm4b:s5+s26], $0x40, s17, s26, $0xb8;
	[tilespmem:$0x17180] =	vst v63  }
0x20: {  	_ =	swait.ge [sflag:s0], $0x2000  }
0x21: {  	[sflag:s0] =	ssyncset.done $0x0  }
0x22: {  	s18 =	sadd.s32 $0x2A80, s24;
	[sflag:s0] =	ssyncadd.s32 $0xFFFFE000  }
0x23: {  	[spmem:s2] =	stream.indirect.scatter.add.bf16 [tilespmem:s29], [sflag:$0x5], $0x40, s18, s26, $0xb8;
	[tilespmem:$0x17180] =	vst v63  }
0x24: {  	_ =	swait.ge [sflag:s23], $0x2000  }
0x25: {  	[sflag:s23] =	ssyncset.done $0x0  }
0x26: {  	s16 =	sadd.s32 $0x500, s24;
	[sflag:s23] =	ssyncadd.s32 $0xFFFFE000  }
0x27: {  	[tilespmem:s29], [sflag:$0x2] =	stream.indirect.gather [hbm4b:s5+s26], $0x40, s16, s26, $0xb8;
	[tilespmem:$0x17180] =	vst v63  }
0x28: {  	_ =	swait.ge [sflag:s8], $0x2000  }
0x29: {  	[sflag:s8] =	ssyncset.done $0x0  }
0x2a: {  	s17 =	sadd.s32 $0x2B00, s24;
	[sflag:s8] =	ssyncadd.s32 $0xFFFFE000  }
0x2b: {  	[spmem:s2] =	stream.indirect.scatter.add.bf16 [tilespmem:s31], [sflag:$0x5], $0x40, s17, s26, $0xb8;
	[tilespmem:$0x17180] =	vst v63  }
0x2c: {  	_ =	swait.ge [sflag:s23], $0x2000  }
0x2d: {  	[sflag:s23] =	ssyncset.done $0x0  }
0x2e: {  	s18 =	sadd.s32 $0x580, s24;
	[sflag:s23] =	ssyncadd.s32 $0xFFFFE000  }
0x2f: {  	[tilespmem:s31], [sflag:$0x3] =	stream.indirect.gather [hbm4b:s5+s26], $0x40, s18, s26, $0xb8;
	[tilespmem:$0x17180] =	vst v63  }
0x30: {  	_ =	swait.ge [sflag:s9], $0x2000  }
0x31: {  	[sflag:s9] =	ssyncset.done $0x0  }
0x32: {  	s24 =	sadd.s32 $0x2B80, s24;
	[sflag:s9] =	ssyncadd.s32 $0xFFFFE000  }
0x33: {  	[spmem:s2] =	stream.indirect.scatter.add.bf16 [tilespmem:s1], [sflag:$0x5], $0x40, s24, s26, $0xb8;
	[tilespmem:$0x17180] =	vst v63  }
0x34: {  	_ =	swait.ge [sflag:s23], $0x2000  }
0x35: {  	[sflag:s23] =	ssyncset.done $0x0  }
0x36: {  	s14 =	rddreg [dreg:$0x5];
	[sflag:s23] =	ssyncadd.s32 $0xFFFFE000  }
.LBB2_8:
0x37: {  	_ =	swait.ge [sflag:s30], $0x2000  }
0x38: {  	[sflag:s30] =	ssyncset.done $0x0  }
0x39: {  	s16 =	simm.s32 $0x5000;
	[sflag:s30] =	ssyncadd.s32 $0xFFFFE000  }
0x3a: {  	[spmem:s2] =	stream.indirect.scatter.add.bf16 [tilespmem:s28], [sflag:$0x5], $0x40, s16, s26, $0xb8;
	[tilespmem:$0x17180] =	vst v63  }
0x3b: {  	_ =	swait.ge [sflag:s23], $0x2000  }
0x3c: {  	[sflag:s23] =	ssyncset.done $0x0  }
0x3d: {  	[sflag:s23] =	ssyncadd.s32 $0xFFFFE000  }
0x3e: {  	_ =	swait.ge [sflag:s0], $0x2000  }
0x3f: {  	[sflag:s0] =	ssyncset.done $0x0  }
0x40: {  	s18 =	simm.s32 $0x5080;
	[sflag:s0] =	ssyncadd.s32 $0xFFFFE000  }
0x41: {  	[spmem:s2] =	stream.indirect.scatter.add.bf16 [tilespmem:s29], [sflag:$0x5], $0x40, s18, s26, $0xb8;
	[tilespmem:$0x17180] =	vst v63  }
0x42: {  	_ =	swait.ge [sflag:s23], $0x2000  }
0x43: {  	[sflag:s23] =	ssyncset.done $0x0  }
0x44: {  	[sflag:s23] =	ssyncadd.s32 $0xFFFFE000  }
0x45: {  	_ =	swait.ge [sflag:s8], $0x2000  }
0x46: {  	[sflag:s8] =	ssyncset.done $0x0  }
0x47: {  	s24 =	simm.s32 $0x5100;
	[sflag:s8] =	ssyncadd.s32 $0xFFFFE000  }
0x48: {  	[spmem:s2] =	stream.indirect.scatter.add.bf16 [tilespmem:s31], [sflag:$0x5], $0x40, s24, s26, $0xb8;
	[tilespmem:$0x17180] =	vst v63  }
0x49: {  	_ =	swait.ge [sflag:s23], $0x2000  }
0x4a: {  	s19 =	sadd.s32 $0x1, s19;
	[sflag:s23] =	ssyncset.done $0x0  }
0x4b: {  	p1 =	sne.s32 s19, s21;
	[sflag:s23] =	ssyncadd.s32 $0xFFFFE000  }
.Ltmp1:
0x4c: {  	s14 =	sadd.s32 s14, s12;
	[bflag:$0x0] =	sbarrier.arrive $0xFFFF;
	(pc) =	sbr.rel @!p1 .LBB2_9-.Ltmp1, $4  }
0x4d: {  	[hbm:s14], [sflag:s25] =	dma.local [spmem:s20], $0x1400  }
0x4e: {  	_ =	swait.ge [sflag:s23], $0x1400  }
0x4f: {  	[sflag:s23] =	ssyncset.done $0x0  }
0x50: {  	[sflag:s23] =	ssyncadd.s32 $0xFFFFEC00  }
.LBB2_1:
0x51: {  	[tilespmem:s22], [sflag:$0x5] =	stream.linear.gather [hbm4b:s10+s3], $0x2780, $0x38;
	[tilespmem:$0x17180] =	vst v63  }
0x52: {  	_ =	swait.ge [sflag:s23], $0x2780  }
0x53: {  	[sflag:s23] =	ssyncset.done $0x0  }
0x54: {  	s14 =	simm.s32 $0x2A00;
	[sflag:s23] =	ssyncadd.s32 $0xFFFFD880  }
0x55: {  	[tilespmem:s14], [sflag:$0x5] =	stream.linear.gather [hbm4b:s11+s3], $0x2780, $0x38;
	[tilespmem:$0x17180] =	vst v63  }
0x56: {  	_ =	swait.ge [sflag:s23], $0x2780  }
0x57: {  	[sflag:s23] =	ssyncset.done $0x0  }
.Ltmp2:
0x58: {  	s20 =	sshrl.u32 s13, $0x3;
	[sflag:s23] =	ssyncadd.s32 $0xFFFFD880;
	(pc) =	sbr.rel @p0 .LBB2_5-.Ltmp2, $4  }
0x59: {  	[spmem:s20], [sflag:s25] =	dma.local [hbm:s6], $0x1400  }
0x5a: {  	_ =	swait.ge [sflag:s23], $0x1400  }
0x5b: {  	[sflag:s23] =	ssyncset.done $0x0  }
0x5c: {  	[sflag:s23] =	ssyncadd.s32 $0xFFFFEC00  }
0x5d: {  	s14 =	simm.s32 $0x0;
	s16 =	rddreg [dreg:$0x6]  }
0x5e: {  	[tilespmem:s14], [sflag:$0x5] =	stream.linear.gather [hbm4b:s16+s14], $0x280, $0x38;
	[tilespmem:$0x17180] =	vst v63  }
0x5f: {  	_ =	swait.ge [sflag:s23], $0x280  }
0x60: {  	[sflag:s23] =	ssyncset.done $0x0  }
0x61: {  	[sflag:s23] =	ssyncadd.s32 $0xFFFFFD80  }
0x62: {  	[tilespmem:s28], [sflag:$0x1] =	stream.indirect.gather [hbm4b:s4+s26], $0x40, s14, s26, $0xb8;
	[tilespmem:$0x17180] =	vst v63  }
0x63: {  	_ = 	snop  }
0x64: {  	[tilespmem:s29], [sflag:$0x2] =	stream.indirect.gather [hbm4b:s4+s26], $0x40, s26, s26, $0xb8;
	[tilespmem:$0x17180] =	vst v63  }
0x65: {  	s24 =	simm.s32 $0x100  }
0x66: {  	[tilespmem:s31], [sflag:$0x3] =	stream.indirect.gather [hbm4b:s4+s26], $0x40, s24, s26, $0xb8;
	[tilespmem:$0x17180] =	vst v63  }
0x67: {  	s17 =	simm.s32 $0x180  }
0x68: {  	[tilespmem:s1], [sflag:$0x4] =	stream.indirect.gather [hbm4b:s4+s26], $0x40, s17, s26, $0xb8;
	[tilespmem:$0x17180] =	vst v63  }
0x69: {  	_ =	swait.ge [sflag:s30], $0x2000  }
0x6a: {  	[sflag:s30] =	ssyncset.done $0x0  }
0x6b: {  	[sflag:s30] =	ssyncadd.s32 $0xFFFFE000  }
0x6c: {  	[hbm4b:s15+s14] =	stream.linear.scatter [tilespmem:s28], [sflag:$0x5], $0x2000, $0x38;
	[tilespmem:$0x17180] =	vst v63  }
0x6d: {  	_ =	swait.ge [sflag:s23], $0x2000  }
0x6e: {  	[sflag:s23] =	ssyncset.done $0x0  }
0x6f: {  	s18 =	simm.s32 $0x200;
	[sflag:s23] =	ssyncadd.s32 $0xFFFFE000  }
0x70: {  	[tilespmem:s28], [sflag:$0x1] =	stream.indirect.gather [hbm4b:s4+s26], $0x40, s18, s26, $0xb8;
	[tilespmem:$0x17180] =	vst v63  }
0x71: {  	_ =	swait.ge [sflag:s0], $0x2000  }
0x72: {  	[sflag:s0] =	ssyncset.done $0x0  }
0x73: {  	s24 =	rddreg [dreg:$0x7];
	[sflag:s0] =	ssyncadd.s32 $0xFFFFE000  }
0x74: {  	[hbm4b:s24+s14] =	stream.linear.scatter [tilespmem:s29], [sflag:$0x5], $0x2000, $0x38;
	[tilespmem:$0x17180] =	vst v63  }
0x75: {  	_ =	swait.ge [sflag:s23], $0x2000  }
0x76: {  	[sflag:s23] =	ssyncset.done $0x0  }
0x77: {  	[sflag:s23] =	ssyncadd.s32 $0xFFFFE000  }
0x78: {  	_ =	swait.ge [sflag:s8], $0x2000  }
0x79: {  	[sflag:s8] =	ssyncset.done $0x0  }
0x7a: {  	s17 =	rddreg [dreg:$0x8];
	[sflag:s8] =	ssyncadd.s32 $0xFFFFE000  }
0x7b: {  	[hbm4b:s17+s14] =	stream.linear.scatter [tilespmem:s31], [sflag:$0x5], $0x2000, $0x38;
	[tilespmem:$0x17180] =	vst v63  }
0x7c: {  	_ =	swait.ge [sflag:s23], $0x2000  }
0x7d: {  	[sflag:s23] =	ssyncset.done $0x0  }
0x7e: {  	[sflag:s23] =	ssyncadd.s32 $0xFFFFE000  }
0x7f: {  	_ =	swait.ge [sflag:s9], $0x2000  }
0x80: {  	[sflag:s9] =	ssyncset.done $0x0  }
0x81: {  	s18 =	rddreg [dreg:$0x9];
	[sflag:s9] =	ssyncadd.s32 $0xFFFFE000  }
0x82: {  	[hbm4b:s18+s14] =	stream.linear.scatter [tilespmem:s1], [sflag:$0x5], $0x2000, $0x38;
	[tilespmem:$0x17180] =	vst v63  }
0x83: {  	_ =	swait.ge [sflag:s23], $0x2000  }
0x84: {  	[sflag:s23] =	ssyncset.done $0x0  }
0x85: {  	[sflag:s23] =	ssyncadd.s32 $0xFFFFE000  }
0x86: {  	_ =	swait.ge [sflag:s30], $0x2000  }
0x87: {  	[sflag:s30] =	ssyncset.done $0x0  }
0x88: {  	s24 =	rddreg [dreg:$0xa];
	[sflag:s30] =	ssyncadd.s32 $0xFFFFE000  }
0x89: {  	[hbm4b:s24+s14] =	stream.linear.scatter [tilespmem:s28], [sflag:$0x5], $0x2000, $0x38;
	[tilespmem:$0x17180] =	vst v63  }
0x8a: {  	_ =	swait.ge [sflag:s23], $0x2000  }
0x8b: {  	[sflag:s23] =	ssyncset.done $0x0  }
0x8c: {  	s17 =	rddreg [dreg:$0xb];
	[sflag:s23] =	ssyncadd.s32 $0xFFFFE000  }
0x8d: {  	[hbm:s17], [sflag:s25] =	dma.local [hbm:s6], $0x78  }
0x8e: {  	_ =	swait.ge [sflag:s23], $0x78  }
0x8f: {  	[sflag:s23] =	ssyncset.done $0x0  }
0x90: {  	[sflag:s23] =	ssyncadd.s32 $0xFFFFFF88  }
0x91: {  	[bflag:$0x0] =	sbarrier.arrive $0xFFFF  }
0x92: {  	[tilespmem:s28], [sflag:$0x1] =	stream.indirect.gather [hbm4b:s7+s26], $0x40, s22, s26, $0xb8;
	[tilespmem:$0x17180] =	vst v63  }
0x93: {  	s18 =	simm.s32 $0x300  }
0x94: {  	[tilespmem:s29], [sflag:$0x2] =	stream.indirect.gather [hbm4b:s7+s26], $0x40, s18, s26, $0xb8;
	[tilespmem:$0x17180] =	vst v63  }
0x95: {  	s24 =	simm.s32 $0x380  }
0x96: {  	[tilespmem:s31], [sflag:$0x3] =	stream.indirect.gather [hbm4b:s7+s26], $0x40, s24, s26, $0xb8;
	[tilespmem:$0x17180] =	vst v63  }
0x97: {  	s16 =	simm.s32 $0x400  }
0x98: {  	[tilespmem:s1], [sflag:$0x4] =	stream.indirect.gather [hbm4b:s7+s26], $0x40, s16, s26, $0xb8;
	[tilespmem:$0x17180] =	vst v63  }
0x99: {  	_ =	swait.ge [sflag:s30], $0x2000  }
0x9a: {  	[sflag:s30] =	ssyncset.done $0x0  }
0x9b: {  	s17 =	simm.s32 $0x2A00;
	[sflag:s30] =	ssyncadd.s32 $0xFFFFE000  }
0x9c: {  	[spmem:s2] =	stream.indirect.scatter.add.bf16 [tilespmem:s28], [sflag:$0x5], $0x40, s17, s26, $0xb8;
	[tilespmem:$0x17180] =	vst v63  }
0x9d: {  	_ =	swait.ge [sflag:s23], $0x2000  }
0x9e: {  	[sflag:s23] =	ssyncset.done $0x0  }
0x9f: {  	s18 =	simm.s32 $0x480;
	[sflag:s23] =	ssyncadd.s32 $0xFFFFE000  }
0xa0: {  	[tilespmem:s28], [sflag:$0x1] =	stream.indirect.gather [hbm4b:s7+s26], $0x40, s18, s26, $0xb8;
	[tilespmem:$0x17180] =	vst v63  }
0xa1: {  	_ =	swait.ge [sflag:s0], $0x2000  }
0xa2: {  	[sflag:s0] =	ssyncset.done $0x0  }
0xa3: {  	s24 =	simm.s32 $0x2A80;
	[sflag:s0] =	ssyncadd.s32 $0xFFFFE000  }
0xa4: {  	[spmem:s2] =	stream.indirect.scatter.add.bf16 [tilespmem:s29], [sflag:$0x5], $0x40, s24, s26, $0xb8;
	[tilespmem:$0x17180] =	vst v63  }
0xa5: {  	_ =	swait.ge [sflag:s23], $0x2000  }
0xa6: {  	[sflag:s23] =	ssyncset.done $0x0  }
0xa7: {  	s16 =	simm.s32 $0x500;
	[sflag:s23] =	ssyncadd.s32 $0xFFFFE000  }
0xa8: {  	[tilespmem:s29], [sflag:$0x2] =	stream.indirect.gather [hbm4b:s7+s26], $0x40, s16, s26, $0xb8;
	[tilespmem:$0x17180] =	vst v63  }
0xa9: {  	_ =	swait.ge [sflag:s8], $0x2000  }
0xaa: {  	[sflag:s8] =	ssyncset.done $0x0  }
0xab: {  	s17 =	simm.s32 $0x2B00;
	[sflag:s8] =	ssyncadd.s32 $0xFFFFE000  }
0xac: {  	[spmem:s2] =	stream.indirect.scatter.add.bf16 [tilespmem:s31], [sflag:$0x5], $0x40, s17, s26, $0xb8;
	[tilespmem:$0x17180] =	vst v63  }
0xad: {  	_ =	swait.ge [sflag:s23], $0x2000  }
0xae: {  	[sflag:s23] =	ssyncset.done $0x0  }
0xaf: {  	s18 =	simm.s32 $0x580;
	[sflag:s23] =	ssyncadd.s32 $0xFFFFE000  }
0xb0: {  	[tilespmem:s31], [sflag:$0x3] =	stream.indirect.gather [hbm4b:s7+s26], $0x40, s18, s26, $0xb8;
	[tilespmem:$0x17180] =	vst v63  }
0xb1: {  	_ =	swait.ge [sflag:s9], $0x2000  }
0xb2: {  	[sflag:s9] =	ssyncset.done $0x0  }
0xb3: {  	s24 =	simm.s32 $0x2B80;
	[sflag:s9] =	ssyncadd.s32 $0xFFFFE000  }
0xb4: {  	[spmem:s2] =	stream.indirect.scatter.add.bf16 [tilespmem:s1], [sflag:$0x5], $0x40, s24, s26, $0xb8;
	[tilespmem:$0x17180] =	vst v63  }
0xb5: {  	_ =	swait.ge [sflag:s23], $0x2000  }
0xb6: {  	s14 =	simm.s32 $0x1000;
	s24 =	simm.s32 $0x200;
	[sflag:s23] =	ssyncset.done $0x0  }
.LBB2_3:
0xb7: {  	s18 =	sadd.s32 $0x400, s24  }
0xb8: {  	[sflag:s23] =	ssyncadd.s32 $0xFFFFE000;
	s16 =	smov.u32 s14;
	s17 =	sadd.s32 $0x800, s14  }
0xb9: {  	[tilespmem:s1], [sflag:$0x4] =	stream.indirect.gather [hbm4b:s7+s26], $0x40, s18, s26, $0xb8;
	[tilespmem:$0x17180] =	vst v63  }
0xba: {  	p1 =	seq.s32 s14, $0x9000;
	_ =	swait.ge [sflag:s30], $0x2000  }
0xbb: {  	[sflag:s30] =	ssyncset.done $0x0  }
0xbc: {  	s14 =	sadd.s32 $0x2A00, s24;
	[sflag:s30] =	ssyncadd.s32 $0xFFFFE000  }
0xbd: {  	[spmem:s2] =	stream.indirect.scatter.add.bf16 [tilespmem:s28], [sflag:$0x5], $0x40, s14, s26, $0xb8;
	[tilespmem:$0x17180] =	vst v63  }
0xbe: {  	_ =	swait.ge [sflag:s23], $0x2000  }
0xbf: {  	[sflag:s23] =	ssyncset.done $0x0  }
0xc0: {  	s14 =	sadd.s32 $0x480, s24;
	[sflag:s23] =	ssyncadd.s32 $0xFFFFE000  }
0xc1: {  	[tilespmem:s28], [sflag:$0x1] =	stream.indirect.gather [hbm4b:s7+s26], $0x40, s14, s26, $0xb8;
	[tilespmem:$0x17180] =	vst v63  }
0xc2: {  	_ =	swait.ge [sflag:s0], $0x2000  }
0xc3: {  	[sflag:s0] =	ssyncset.done $0x0  }
0xc4: {  	s14 =	sadd.s32 $0x2A80, s24;
	[sflag:s0] =	ssyncadd.s32 $0xFFFFE000  }
0xc5: {  	[spmem:s2] =	stream.indirect.scatter.add.bf16 [tilespmem:s29], [sflag:$0x5], $0x40, s14, s26, $0xb8;
	[tilespmem:$0x17180] =	vst v63  }
0xc6: {  	_ =	swait.ge [sflag:s23], $0x2000  }
0xc7: {  	[sflag:s23] =	ssyncset.done $0x0  }
0xc8: {  	s14 =	sadd.s32 $0x500, s24;
	[sflag:s23] =	ssyncadd.s32 $0xFFFFE000  }
0xc9: {  	[tilespmem:s29], [sflag:$0x2] =	stream.indirect.gather [hbm4b:s7+s26], $0x40, s14, s26, $0xb8;
	[tilespmem:$0x17180] =	vst v63  }
0xca: {  	_ =	swait.ge [sflag:s8], $0x2000  }
0xcb: {  	[sflag:s8] =	ssyncset.done $0x0  }
0xcc: {  	s14 =	sadd.s32 $0x2B00, s24;
	[sflag:s8] =	ssyncadd.s32 $0xFFFFE000  }
0xcd: {  	[spmem:s2] =	stream.indirect.scatter.add.bf16 [tilespmem:s31], [sflag:$0x5], $0x40, s14, s26, $0xb8;
	[tilespmem:$0x17180] =	vst v63  }
0xce: {  	_ =	swait.ge [sflag:s23], $0x2000  }
0xcf: {  	[sflag:s23] =	ssyncset.done $0x0  }
0xd0: {  	s14 =	sadd.s32 $0x580, s24;
	[sflag:s23] =	ssyncadd.s32 $0xFFFFE000  }
0xd1: {  	[tilespmem:s31], [sflag:$0x3] =	stream.indirect.gather [hbm4b:s7+s26], $0x40, s14, s26, $0xb8;
	[tilespmem:$0x17180] =	vst v63  }
0xd2: {  	_ =	swait.ge [sflag:s9], $0x2000  }
.Ltmp3:
0xd3: {  	[sflag:s9] =	ssyncset.done $0x0;
	(pc) =	sbr.rel @!p1 .LBB2_3-.Ltmp3, $4  }
0xd4: {  	s14 =	sadd.s32 $0x2B80, s24;
	[sflag:s9] =	ssyncadd.s32 $0xFFFFE000  }
0xd5: {  	[spmem:s2] =	stream.indirect.scatter.add.bf16 [tilespmem:s1], [sflag:$0x5], $0x40, s14, s26, $0xb8;
	[tilespmem:$0x17180] =	vst v63  }
0xd6: {  	_ =	swait.ge [sflag:s23], $0x2000  }
0xd7: {  	s24 =	sshra.s32 s16, $0x2;
	s14 =	smov.u32 s17;
	[sflag:s23] =	ssyncset.done $0x0  }
0xd8: {  	s14 =	sadd.s32 $0x400, s24;
	[sflag:s23] =	ssyncadd.s32 $0xFFFFE000  }
0xd9: {  	[tilespmem:s1], [sflag:$0x4] =	stream.indirect.gather [hbm4b:s7+s26], $0x40, s14, s26, $0xb8;
	[tilespmem:$0x17180] =	vst v63  }
0xda: {  	_ =	swait.ge [sflag:s30], $0x2000  }
0xdb: {  	[sflag:s30] =	ssyncset.done $0x0  }
0xdc: {  	s16 =	sadd.s32 $0x2A00, s24;
	[sflag:s30] =	ssyncadd.s32 $0xFFFFE000  }
0xdd: {  	[spmem:s2] =	stream.indirect.scatter.add.bf16 [tilespmem:s28], [sflag:$0x5], $0x40, s16, s26, $0xb8;
	[tilespmem:$0x17180] =	vst v63  }
0xde: {  	_ =	swait.ge [sflag:s23], $0x2000  }
0xdf: {  	[sflag:s23] =	ssyncset.done $0x0  }
0xe0: {  	s17 =	sadd.s32 $0x480, s24;
	[sflag:s23] =	ssyncadd.s32 $0xFFFFE000  }
0xe1: {  	[tilespmem:s28], [sflag:$0x1] =	stream.indirect.gather [hbm4b:s7+s26], $0x40, s17, s26, $0xb8;
	[tilespmem:$0x17180] =	vst v63  }
0xe2: {  	_ =	swait.ge [sflag:s0], $0x2000  }
0xe3: {  	[sflag:s0] =	ssyncset.done $0x0  }
0xe4: {  	s18 =	sadd.s32 $0x2A80, s24;
	[sflag:s0] =	ssyncadd.s32 $0xFFFFE000  }
0xe5: {  	[spmem:s2] =	stream.indirect.scatter.add.bf16 [tilespmem:s29], [sflag:$0x5], $0x40, s18, s26, $0xb8;
	[tilespmem:$0x17180] =	vst v63  }
0xe6: {  	_ =	swait.ge [sflag:s23], $0x2000  }
0xe7: {  	[sflag:s23] =	ssyncset.done $0x0  }
0xe8: {  	s16 =	sadd.s32 $0x500, s24;
	[sflag:s23] =	ssyncadd.s32 $0xFFFFE000  }
0xe9: {  	[tilespmem:s29], [sflag:$0x2] =	stream.indirect.gather [hbm4b:s7+s26], $0x40, s16, s26, $0xb8;
	[tilespmem:$0x17180] =	vst v63  }
0xea: {  	_ =	swait.ge [sflag:s8], $0x2000  }
0xeb: {  	[sflag:s8] =	ssyncset.done $0x0  }
0xec: {  	s17 =	sadd.s32 $0x2B00, s24;
	[sflag:s8] =	ssyncadd.s32 $0xFFFFE000  }
0xed: {  	[spmem:s2] =	stream.indirect.scatter.add.bf16 [tilespmem:s31], [sflag:$0x5], $0x40, s17, s26, $0xb8;
	[tilespmem:$0x17180] =	vst v63  }
0xee: {  	_ =	swait.ge [sflag:s23], $0x2000  }
0xef: {  	[sflag:s23] =	ssyncset.done $0x0  }
0xf0: {  	s18 =	sadd.s32 $0x580, s24;
	[sflag:s23] =	ssyncadd.s32 $0xFFFFE000  }
0xf1: {  	[tilespmem:s31], [sflag:$0x3] =	stream.indirect.gather [hbm4b:s7+s26], $0x40, s18, s26, $0xb8;
	[tilespmem:$0x17180] =	vst v63  }
0xf2: {  	_ =	swait.ge [sflag:s9], $0x2000  }
0xf3: {  	[sflag:s9] =	ssyncset.done $0x0  }
.Ltmp4:
0xf4: {  	s24 =	sadd.s32 $0x2B80, s24;
	[sflag:s9] =	ssyncadd.s32 $0xFFFFE000;
	(pc) =	sbr.rel .LBB2_8-.Ltmp4, $4  }
0xf5: {  	[spmem:s2] =	stream.indirect.scatter.add.bf16 [tilespmem:s1], [sflag:$0x5], $0x40, s24, s26, $0xb8;
	[tilespmem:$0x17180] =	vst v63  }
0xf6: {  	_ =	swait.ge [sflag:s23], $0x2000  }
0xf7: {  	[sflag:s23] =	ssyncset.done $0x0  }
0xf8: {  	s14 =	rddreg [dreg:$0x4];
	[sflag:s23] =	ssyncadd.s32 $0xFFFFE000  }
.LBB2_5:
0xf9: {  	[bflag:$0x0] =	sbarrier.arrive $0xFFFF  }
0xfa: {  	[tilespmem:s28], [sflag:$0x1] =	stream.indirect.gather [hbm4b:s5+s26], $0x40, s22, s26, $0xb8;
	[tilespmem:$0x17180] =	vst v63  }
0xfb: {  	s14 =	simm.s32 $0x300  }
0xfc: {  	[tilespmem:s29], [sflag:$0x2] =	stream.indirect.gather [hbm4b:s5+s26], $0x40, s14, s26, $0xb8;
	[tilespmem:$0x17180] =	vst v63  }
0xfd: {  	s24 =	simm.s32 $0x380  }
0xfe: {  	[tilespmem:s31], [sflag:$0x3] =	stream.indirect.gather [hbm4b:s5+s26], $0x40, s24, s26, $0xb8;
	[tilespmem:$0x17180] =	vst v63  }
0xff: {  	s16 =	simm.s32 $0x400  }
0x100: {  	[tilespmem:s1], [sflag:$0x4] =	stream.indirect.gather [hbm4b:s5+s26], $0x40, s16, s26, $0xb8;
	[tilespmem:$0x17180] =	vst v63  }
0x101: {  	_ =	swait.ge [sflag:s30], $0x2000  }
0x102: {  	[sflag:s30] =	ssyncset.done $0x0  }
0x103: {  	s17 =	simm.s32 $0x2A00;
	[sflag:s30] =	ssyncadd.s32 $0xFFFFE000  }
0x104: {  	[spmem:s2] =	stream.indirect.scatter.add.bf16 [tilespmem:s28], [sflag:$0x5], $0x40, s17, s26, $0xb8;
	[tilespmem:$0x17180] =	vst v63  }
0x105: {  	_ =	swait.ge [sflag:s23], $0x2000  }
0x106: {  	[sflag:s23] =	ssyncset.done $0x0  }
0x107: {  	s18 =	simm.s32 $0x480;
	[sflag:s23] =	ssyncadd.s32 $0xFFFFE000  }
0x108: {  	[tilespmem:s28], [sflag:$0x1] =	stream.indirect.gather [hbm4b:s5+s26], $0x40, s18, s26, $0xb8;
	[tilespmem:$0x17180] =	vst v63  }
0x109: {  	_ =	swait.ge [sflag:s0], $0x2000  }
0x10a: {  	[sflag:s0] =	ssyncset.done $0x0  }
0x10b: {  	s24 =	simm.s32 $0x2A80;
	[sflag:s0] =	ssyncadd.s32 $0xFFFFE000  }
0x10c: {  	[spmem:s2] =	stream.indirect.scatter.add.bf16 [tilespmem:s29], [sflag:$0x5], $0x40, s24, s26, $0xb8;
	[tilespmem:$0x17180] =	vst v63  }
0x10d: {  	_ =	swait.ge [sflag:s23], $0x2000  }
0x10e: {  	[sflag:s23] =	ssyncset.done $0x0  }
0x10f: {  	s16 =	simm.s32 $0x500;
	[sflag:s23] =	ssyncadd.s32 $0xFFFFE000  }
0x110: {  	[tilespmem:s29], [sflag:$0x2] =	stream.indirect.gather [hbm4b:s5+s26], $0x40, s16, s26, $0xb8;
	[tilespmem:$0x17180] =	vst v63  }
0x111: {  	_ =	swait.ge [sflag:s8], $0x2000  }
0x112: {  	[sflag:s8] =	ssyncset.done $0x0  }
0x113: {  	s17 =	simm.s32 $0x2B00;
	[sflag:s8] =	ssyncadd.s32 $0xFFFFE000  }
0x114: {  	[spmem:s2] =	stream.indirect.scatter.add.bf16 [tilespmem:s31], [sflag:$0x5], $0x40, s17, s26, $0xb8;
	[tilespmem:$0x17180] =	vst v63  }
0x115: {  	_ =	swait.ge [sflag:s23], $0x2000  }
0x116: {  	[sflag:s23] =	ssyncset.done $0x0  }
0x117: {  	s18 =	simm.s32 $0x580;
	[sflag:s23] =	ssyncadd.s32 $0xFFFFE000  }
0x118: {  	[tilespmem:s31], [sflag:$0x3] =	stream.indirect.gather [hbm4b:s5+s26], $0x40, s18, s26, $0xb8;
	[tilespmem:$0x17180] =	vst v63  }
0x119: {  	_ =	swait.ge [sflag:s9], $0x2000  }
0x11a: {  	[sflag:s9] =	ssyncset.done $0x0  }
0x11b: {  	s24 =	simm.s32 $0x2B80;
	[sflag:s9] =	ssyncadd.s32 $0xFFFFE000  }
0x11c: {  	[spmem:s2] =	stream.indirect.scatter.add.bf16 [tilespmem:s1], [sflag:$0x5], $0x40, s24, s26, $0xb8;
	[tilespmem:$0x17180] =	vst v63  }
0x11d: {  	_ =	swait.ge [sflag:s23], $0x2000  }
0x11e: {  	s17 =	simm.s32 $0x1000;
	s24 =	simm.s32 $0x200;
	[sflag:s23] =	ssyncset.done $0x0  }
.LBB2_6:
0x11f: {  	s18 =	sadd.s32 $0x400, s24  }
0x120: {  	[sflag:s23] =	ssyncadd.s32 $0xFFFFE000;
	s16 =	smov.u32 s17;
	s14 =	sadd.s32 $0x800, s17  }
0x121: {  	[tilespmem:s1], [sflag:$0x4] =	stream.indirect.gather [hbm4b:s5+s26], $0x40, s18, s26, $0xb8;
	[tilespmem:$0x17180] =	vst v63  }
0x122: {  	p1 =	sne.s32 s17, $0x9000;
	_ =	swait.ge [sflag:s30], $0x2000  }
0x123: {  	[sflag:s30] =	ssyncset.done $0x0  }
0x124: {  	s17 =	sadd.s32 $0x2A00, s24;
	[sflag:s30] =	ssyncadd.s32 $0xFFFFE000  }
0x125: {  	[spmem:s2] =	stream.indirect.scatter.add.bf16 [tilespmem:s28], [sflag:$0x5], $0x40, s17, s26, $0xb8;
	[tilespmem:$0x17180] =	vst v63  }
0x126: {  	_ =	swait.ge [sflag:s23], $0x2000  }
0x127: {  	[sflag:s23] =	ssyncset.done $0x0  }
0x128: {  	s17 =	sadd.s32 $0x480, s24;
	[sflag:s23] =	ssyncadd.s32 $0xFFFFE000  }
0x129: {  	[tilespmem:s28], [sflag:$0x1] =	stream.indirect.gather [hbm4b:s5+s26], $0x40, s17, s26, $0xb8;
	[tilespmem:$0x17180] =	vst v63  }
0x12a: {  	_ =	swait.ge [sflag:s0], $0x2000  }
0x12b: {  	[sflag:s0] =	ssyncset.done $0x0  }
0x12c: {  	s17 =	sadd.s32 $0x2A80, s24;
	[sflag:s0] =	ssyncadd.s32 $0xFFFFE000  }
0x12d: {  	[spmem:s2] =	stream.indirect.scatter.add.bf16 [tilespmem:s29], [sflag:$0x5], $0x40, s17, s26, $0xb8;
	[tilespmem:$0x17180] =	vst v63  }
0x12e: {  	_ =	swait.ge [sflag:s23], $0x2000  }
0x12f: {  	[sflag:s23] =	ssyncset.done $0x0  }
0x130: {  	s17 =	sadd.s32 $0x500, s24;
	[sflag:s23] =	ssyncadd.s32 $0xFFFFE000  }
0x131: {  	[tilespmem:s29], [sflag:$0x2] =	stream.indirect.gather [hbm4b:s5+s26], $0x40, s17, s26, $0xb8;
	[tilespmem:$0x17180] =	vst v63  }
0x132: {  	_ =	swait.ge [sflag:s8], $0x2000  }
0x133: {  	[sflag:s8] =	ssyncset.done $0x0  }
0x134: {  	s17 =	sadd.s32 $0x2B00, s24;
	[sflag:s8] =	ssyncadd.s32 $0xFFFFE000  }
0x135: {  	[spmem:s2] =	stream.indirect.scatter.add.bf16 [tilespmem:s31], [sflag:$0x5], $0x40, s17, s26, $0xb8;
	[tilespmem:$0x17180] =	vst v63  }
0x136: {  	_ =	swait.ge [sflag:s23], $0x2000  }
0x137: {  	[sflag:s23] =	ssyncset.done $0x0  }
0x138: {  	s17 =	sadd.s32 $0x580, s24;
	[sflag:s23] =	ssyncadd.s32 $0xFFFFE000  }
0x139: {  	[tilespmem:s31], [sflag:$0x3] =	stream.indirect.gather [hbm4b:s5+s26], $0x40, s17, s26, $0xb8;
	[tilespmem:$0x17180] =	vst v63  }
0x13a: {  	_ =	swait.ge [sflag:s9], $0x2000  }
.Ltmp5:
0x13b: {  	[sflag:s9] =	ssyncset.done $0x0;
	(pc) =	sbr.rel @p1 .LBB2_6-.Ltmp5, $4  }
0x13c: {  	s17 =	sadd.s32 $0x2B80, s24;
	[sflag:s9] =	ssyncadd.s32 $0xFFFFE000  }
0x13d: {  	[spmem:s2] =	stream.indirect.scatter.add.bf16 [tilespmem:s1], [sflag:$0x5], $0x40, s17, s26, $0xb8;
	[tilespmem:$0x17180] =	vst v63  }
0x13e: {  	_ =	swait.ge [sflag:s23], $0x2000  }
0x13f: {  	s24 =	sshra.s32 s16, $0x2;
	s17 =	smov.u32 s14;
	[sflag:s23] =	ssyncset.done $0x0  }
.Ltmp6:
0x140: {  	_ = 	snop;
	(pc) =	sbr.rel .LBB2_7-.Ltmp6, $1  }
0x141: {  	_ =	sdelay $0x3  }
.LBB2_9:
0x142: {  	_ =	sfence.sel $0x180000  }
0x143: {  	[bflag:$0x0] =	sbarrier.arrive $0xFFFF  }
0x144: {  	_ =	strace $0x90000047  }
0x145: {  	s0 =	stileid.u32;
	[bflag:$0x2] =	sbarrier.arrive $0xFFFF  }
0x146: {  	p0 =	sne.s32 s0, $0x0;
	s0 =	rddreg [dreg:$0x3]  }
0x147: {  	s0 =	sadd.s32 @!p0 $0x100000, s0  }
0x148: {  	[sflag:s0] =	ssyncadd.tile.s32 @!p0 $0x1;
	_ =	shalt  }
.Lfunc_end2:
_tile_overlayer_lowered:
.L_overlay_start_2:
0x149: {  	(tag) =	ssettag $0x2  }
0x14a: {  	s0 =	rddreg [dreg:$0x0];
	s2 =	stileid.u32  }
0x14b: {  	s1 =	rddreg [dreg:$0x1];
	p0 =	sne.s32 s2, $0x0  }
0x14c: {  	s3 =	rddreg [dreg:$0x2];
	[bflag:$0x3] =	sbarrier.arrive $0xFFFF;
	s2 =	simm.s32 @!p0 $0x1C05  }
0x14d: {  	[timem:s3], [sflag:s2] =	dma.local @!p0 [hbm:s0], s1  }
0x14e: {  	s0 =	simm.s32 @!p0 $0x5  }
0x14f: {  	_ =	swait.ge @!p0 [sflag:s0], s1  }
0x150: {  	s1 =	ssub.s32 @!p0 $0x0, s1;
	[sflag:s0] =	ssyncset.done @!p0 $0x0  }
0x151: {  	[sflag:s0] =	ssyncadd.s32 @!p0 s1  }
0x152: {  	[bflag:$0x3] =	sbarrier.arrive $0xFFFF  }
0x153: {  	_ =	shalt  }

</sc_bundles>
